<compile_context>
chip_gen: v7x
topology: tpu7x:2x2x1
jax: 0.10.2.dev20260603
libtpu: 0.0.44.dev20260713+nightly
codegen_flags: <defaults>
</compile_context>

<pallas_src>
import jax
import jax.numpy as jnp
from jax import lax
from jax.experimental import pallas as pl
from jax.experimental.pallas import tpu as pltpu
from jax.experimental.pallas import tpu_sc as plsc

N_NODES = 10000
D = 128
N_EDGES = 320000

NC = 2
NS = 16
NW = NC * NS
BLK = 128
NBLK = N_EDGES // BLK
BPW = NBLK // NW
EW = BPW * BLK
C = 64
NCH = EW // C
NB = 3
SEG = 640
LAST_SEG = N_NODES - 15 * SEG
ZR = 40

_sc_mesh = plsc.VectorSubcoreMesh(core_axis_name="c", subcore_axis_name="s")


def _agg_body(ei_hbm, feat_hbm, zeros_hbm, out_hbm,
              sidx, didx, rows0, rows1, rows2,
              acc, gs0, gs1, gs2, zsem):
    cid = lax.axis_index("c")
    sid = lax.axis_index("s")
    wid = sid * NC + cid
    bufs = (rows0, rows1, rows2)
    gsems = (gs0, gs1, gs2)

    base = pl.multiple_of((BPW * wid + jnp.minimum(wid, 4)) * BLK, BLK)

    cp_s = pltpu.async_copy(ei_hbm.at[0, pl.ds(base, EW)], sidx, gs0)
    cp_d = pltpu.async_copy(ei_hbm.at[1, pl.ds(base, EW)], didx, gs1)

    pltpu.sync_copy(zeros_hbm, rows0)

    @pl.when(sid < NS - 1)
    def _():
        for k in range(SEG // ZR):
            pltpu.async_copy(rows0.at[pl.ds(0, ZR)],
                             acc.at[pl.ds(sid * SEG + k * ZR, ZR)], zsem)
        for k in range(SEG // ZR):
            pltpu.make_async_copy(rows0.at[pl.ds(0, ZR)],
                                  acc.at[pl.ds(sid * SEG + k * ZR, ZR)],
                                  zsem).wait()

    @pl.when(sid == NS - 1)
    def _():
        for k in range(LAST_SEG // ZR):
            pltpu.async_copy(rows0.at[pl.ds(0, ZR)],
                             acc.at[pl.ds(15 * SEG + k * ZR, ZR)], zsem)
        for k in range(LAST_SEG // ZR):
            pltpu.make_async_copy(rows0.at[pl.ds(0, ZR)],
                                  acc.at[pl.ds(15 * SEG + k * ZR, ZR)],
                                  zsem).wait()

    cp_s.wait()
    cp_d.wait()

    def _gather(c, b):
        pltpu.async_copy(feat_hbm.at[sidx.at[pl.ds(c * C, C)]], bufs[b],
                         gsems[b])

    def _gwait(b):
        pltpu.make_async_copy(feat_hbm.at[sidx.at[pl.ds(0, C)]], bufs[b],
                              gsems[b]).wait()

    for b in range(NB):
        _gather(b, b)
    plsc.subcore_barrier()

    def _quad(p, carry):
        c0 = NB * p
        for b in range(NB):
            _gwait(b)
            pltpu.sync_copy(bufs[b],
                            acc.at[didx.at[pl.ds((c0 + b) * C, C)]],
                            add=True)

            @pl.when(c0 + b + NB < NCH)
            def _():
                _gather(c0 + b + NB, b)

        return carry

    lax.fori_loop(0, NCH // NB, _quad, 0)

    @pl.when(wid < 4)
    def _():
        e0 = pl.multiple_of(base + EW, BLK)
        pltpu.sync_copy(ei_hbm.at[0, pl.ds(e0, BLK)], sidx.at[pl.ds(0, BLK)])
        pltpu.sync_copy(ei_hbm.at[1, pl.ds(e0, BLK)], didx.at[pl.ds(0, BLK)])
        for c in range(BLK // C):
            _gather(c, c)
        for c in range(BLK // C):
            _gwait(c)
            pltpu.sync_copy(bufs[c], acc.at[didx.at[pl.ds(c * C, C)]],
                            add=True)

    plsc.subcore_barrier()

    @pl.when(sid < NS - 1)
    def _():
        pltpu.sync_copy(acc.at[pl.ds(sid * SEG, SEG)],
                        out_hbm.at[cid, pl.ds(sid * SEG, SEG)])

    @pl.when(sid == NS - 1)
    def _():
        pltpu.sync_copy(acc.at[pl.ds(15 * SEG, LAST_SEG)],
                        out_hbm.at[cid, pl.ds(15 * SEG, LAST_SEG)])


_agg = pl.kernel(
    _agg_body,
    out_type=jax.ShapeDtypeStruct((NC, N_NODES, D), jnp.float32),
    mesh=_sc_mesh,
    scratch_types=(
        [pltpu.VMEM((EW,), jnp.int32)] * 2
        + [pltpu.VMEM((C, D), jnp.float32)] * NB
        + [pltpu.VMEM_SHARED((N_NODES, D), jnp.float32)]
        + [pltpu.SemaphoreType.DMA] * (NB + 1)
    ),
)


def _mm1_body(feat_ref, w1_ref, o_ref):
    o_ref[...] = jnp.dot(feat_ref[...], w1_ref[...],
                         preferred_element_type=jnp.float32)


def _mm2_body(part1_ref, p_ref, w2_ref, o_ref):
    agg = p_ref[0] + p_ref[1]
    o_ref[...] = part1_ref[...] + jnp.dot(
        agg, w2_ref[...], preferred_element_type=jnp.float32)


_ROWS_BLK = 2000


def _mm1(feat, w1):
    return pl.pallas_call(
        _mm1_body,
        grid=(N_NODES // _ROWS_BLK,),
        in_specs=[
            pl.BlockSpec((_ROWS_BLK, D), lambda i: (i, 0)),
            pl.BlockSpec((D, D), lambda i: (0, 0)),
        ],
        out_specs=pl.BlockSpec((_ROWS_BLK, D), lambda i: (i, 0)),
        out_shape=jax.ShapeDtypeStruct((N_NODES, D), jnp.float32),
    )(feat, w1)


def _mm2(part1, partials, w2):
    return pl.pallas_call(
        _mm2_body,
        grid=(N_NODES // _ROWS_BLK,),
        in_specs=[
            pl.BlockSpec((_ROWS_BLK, D), lambda i: (i, 0)),
            pl.BlockSpec((NC, _ROWS_BLK, D), lambda i: (0, i, 0)),
            pl.BlockSpec((D, D), lambda i: (0, 0)),
        ],
        out_specs=pl.BlockSpec((_ROWS_BLK, D), lambda i: (i, 0)),
        out_shape=jax.ShapeDtypeStruct((N_NODES, D), jnp.float32),
    )(part1, partials, w2)


@jax.jit
def kernel(feat, edge_index, weight1, weight2):
    zeros = jnp.zeros((C, D), jnp.float32)
    partials = _agg(edge_index, feat, zeros)
    part1 = _mm1(feat, weight1)
    return _mm2(part1, partials, weight2)

# --- scband reference (transcript-rebuilt; emitter-appended) ---
"""Pipeline reference for scband-graph-conv-5866925326658 (READ-ONLY COPY).

The authoritative reference and input builder live on the scoring server;
editing this copy changes nothing except your own understanding.
"""

import jax, jax.numpy as jnp
import numpy as np

N_NODES = 10000
N_EDGES = 320000
D_IN = 128
D_OUT = 128


def setup_inputs(seed: int = 0) -> dict:
    key = jax.random.key(seed)
    k1, k2, k3, k4 = jax.random.split(key, 4)
    feat = jax.random.normal(k1, (N_NODES, D_IN), dtype=jnp.float32)
    edge_index = jax.random.randint(k2, (2, N_EDGES), 0, N_NODES, dtype=jnp.int32)
    # xavier_uniform init for weight1, weight2
    limit = float(np.sqrt(6.0 / (D_IN + D_OUT)))
    weight1 = jax.random.uniform(k3, (D_IN, D_OUT), minval=-limit, maxval=limit, dtype=jnp.float32)
    weight2 = jax.random.uniform(k4, (D_IN, D_OUT), minval=-limit, maxval=limit, dtype=jnp.float32)
    return {"feat": feat, "edge_index": edge_index, "weight1": weight1, "weight2": weight2}


def reference(feat, edge_index, weight1, weight2):
    # DGL GraphConv forward (edge_weight=None path):
    #   graph.srcdata['h'] = feat_src
    #   update_all(copy_src('h','m'), sum('m','h'))  -> scatter-add of src features onto dst
    #   rst = feat_src @ weight1 + agg @ weight2
    src = edge_index[0]
    dst = edge_index[1]
    messages = jnp.take(feat, src, axis=0)              # gather: copy_u
    agg = jax.ops.segment_sum(messages, dst, num_segments=N_NODES)  # scatter-add: fn.sum
    rst = jnp.matmul(feat, weight1) + jnp.matmul(agg, weight2)
    # activation is None -> identity
    return rst

if __name__ == "__main__":
    import jax
    _d = setup_inputs()
    print(jax.jit(kernel)(*tuple(_d.values())))

</pallas_src>

<mosaic_0001>
#map = affine_map<(d0, d1) -> (0, 0)>
#map1 = affine_map<(d0, d1) -> (0, 0, 0)>
module attributes {stable_mosaic.version = 14 : i64} {
  func.func @_agg_body(%arg0: i32, %arg1: i32, %arg2: memref<2x320000xi32, #tpu.memory_space<hbm>>, %arg3: memref<10000x128xf32, #tpu.memory_space<hbm>>, %arg4: memref<64x128xf32, #tpu.memory_space<hbm>>, %arg5: memref<2x10000x128xf32, #tpu.memory_space<hbm>>, %arg6: memref<9984xi32, #tpu.memory_space<vmem>>, %arg7: memref<9984xi32, #tpu.memory_space<vmem>>, %arg8: memref<64x128xf32, #tpu.memory_space<vmem>>, %arg9: memref<64x128xf32, #tpu.memory_space<vmem>>, %arg10: memref<64x128xf32, #tpu.memory_space<vmem>>, %arg11: memref<10000x128xf32, #tpu.memory_space<vmem_shared>>, %arg12: memref<!tpu.dma_semaphore, #tpu.memory_space<semaphore_mem>>, %arg13: memref<!tpu.dma_semaphore, #tpu.memory_space<semaphore_mem>>, %arg14: memref<!tpu.dma_semaphore, #tpu.memory_space<semaphore_mem>>, %arg15: memref<!tpu.dma_semaphore, #tpu.memory_space<semaphore_mem>>) attributes {dimension_semantics = [#tpu.dimension_semantics<core_parallel>, #tpu.dimension_semantics<subcore_parallel>], iteration_bounds = array<i64: 2, 16>, scalar_prefetch = 0 : i64, scratch_operands = 10 : i64, tpu.core_type = #tpu.core_type<sc_vector_subcore>, window_params = [{transform_indices = #map}, {transform_indices = #map}, {transform_indices = #map}, {transform_indices = #map1}]} {
    %mul3A = arith.constant 2 : i32
    %mul3A_0 = arith.muli %arg1, %mul3A : i32
    %add3A = arith.addi %mul3A_0, %arg0 : i32
    %mul3A_1 = arith.constant 78 : i32
    %mul3A_2 = arith.muli %mul3A_1, %add3A : i32
    %min3A = arith.constant 4 : i32
    %min3A_3 = arith.minsi %add3A, %min3A : i32
    %add3A_4 = arith.addi %mul3A_2, %min3A_3 : i32
    %mul3A_5 = arith.constant 128 : i32
    %mul3A_6 = arith.muli %add3A_4, %mul3A_5 : i32
    %multiple_of3A = tpu.assume_multiple %mul3A_6, 128 : i32
    %dma_start3A = arith.constant 0 : i32
    %dma_start3A_7 = tpu.memref_slice %arg2[%dma_start3A, %multiple_of3A] : memref<2x320000xi32, #tpu.memory_space<hbm>> -> memref<1x9984xi32, #tpu.memory_space<hbm>>
    %dma_start3A_8 = tpu.memref_squeeze %dma_start3A_7 : memref<1x9984xi32, #tpu.memory_space<hbm>> -> memref<9984xi32, #tpu.memory_space<hbm>>
    %dma_start3A_9 = tpu.memref_slice %arg2[%dma_start3A, %multiple_of3A] : memref<2x320000xi32, #tpu.memory_space<hbm>> -> memref<1x9984xi32, #tpu.memory_space<hbm>>
    %dma_start3A_10 = tpu.memref_squeeze %dma_start3A_9 : memref<1x9984xi32, #tpu.memory_space<hbm>> -> memref<9984xi32, #tpu.memory_space<hbm>>
    tpu.enqueue_dma source(%dma_start3A_10 : memref<9984xi32, #tpu.memory_space<hbm>>) target(%arg6 : memref<9984xi32, #tpu.memory_space<vmem>>) target_semaphore(%arg12 : memref<!tpu.dma_semaphore, #tpu.memory_space<semaphore_mem>>)
    %dma_start3A_11 = arith.constant 1 : i32
    %dma_start3A_12 = tpu.memref_slice %arg2[%dma_start3A_11, %multiple_of3A] : memref<2x320000xi32, #tpu.memory_space<hbm>> -> memref<1x9984xi32, #tpu.memory_space<hbm>>
    %dma_start3A_13 = tpu.memref_squeeze %dma_start3A_12 : memref<1x9984xi32, #tpu.memory_space<hbm>> -> memref<9984xi32, #tpu.memory_space<hbm>>
    %dma_start3A_14 = tpu.memref_slice %arg2[%dma_start3A_11, %multiple_of3A] : memref<2x320000xi32, #tpu.memory_space<hbm>> -> memref<1x9984xi32, #tpu.memory_space<hbm>>
    %dma_start3A_15 = tpu.memref_squeeze %dma_start3A_14 : memref<1x9984xi32, #tpu.memory_space<hbm>> -> memref<9984xi32, #tpu.memory_space<hbm>>
    tpu.enqueue_dma source(%dma_start3A_15 : memref<9984xi32, #tpu.memory_space<hbm>>) target(%arg7 : memref<9984xi32, #tpu.memory_space<vmem>>) target_semaphore(%arg13 : memref<!tpu.dma_semaphore, #tpu.memory_space<semaphore_mem>>)
    "tpu.region"() ({
      %run_scoped3A = tpu.sem_alloc : memref<!tpu.dma_semaphore, #tpu.memory_space<semaphore_mem>>
      tpu.enqueue_dma source(%arg4 : memref<64x128xf32, #tpu.memory_space<hbm>>) target(%arg8 : memref<64x128xf32, #tpu.memory_space<vmem>>) target_semaphore(%run_scoped3A : memref<!tpu.dma_semaphore, #tpu.memory_space<semaphore_mem>>)
      tpu.wait_dma2 semaphore(%run_scoped3A : memref<!tpu.dma_semaphore, #tpu.memory_space<semaphore_mem>>) src(%arg4 : memref<64x128xf32, #tpu.memory_space<hbm>>) dst(%arg8 : memref<64x128xf32, #tpu.memory_space<vmem>>)
      tpu.yield
    }) : () -> ()
    %lt3A = arith.constant 15 : i32
    %lt3A_16 = arith.cmpi slt, %arg1, %lt3A : i32
    %convert_element_type3A = arith.extui %lt3A_16 : i1 to i32
    %cond3A = arith.constant 0 : i32
    %cond3A_17 = arith.cmpi ne, %convert_element_type3A, %cond3A : i32
    scf.if %cond3A_17 {
      %mul3A_67 = arith.constant 640 : i32
      %mul3A_68 = arith.muli %arg1, %mul3A_67 : i32
      %add3A_69 = arith.constant 0 : i32
      %add3A_70 = arith.addi %mul3A_68, %add3A_69 : i32
      %dma_start3A_71 = arith.constant 0 : i32
      %dma_start3A_72 = arith.constant 0 : i32
      %dma_start3A_73 = tpu.memref_slice %arg8[%dma_start3A_71, %dma_start3A_72] : memref<64x128xf32, #tpu.memory_space<vmem>> -> memref<40x128xf32, #tpu.memory_space<vmem>>
      %dma_start3A_74 = arith.constant 0 : i32
      %dma_start3A_75 = tpu.memref_slice %arg11[%add3A_70, %dma_start3A_74] : memref<10000x128xf32, #tpu.memory_space<vmem_shared>> -> memref<40x128xf32, #tpu.memory_space<vmem_shared>>
      %dma_start3A_76 = arith.constant 0 : i32
      %dma_start3A_77 = tpu.memref_slice %arg11[%add3A_70, %dma_start3A_76] : memref<10000x128xf32, #tpu.memory_space<vmem_shared>> -> memref<40x128xf32, #tpu.memory_space<vmem_shared>>
      %dma_start3A_78 = arith.constant 0 : i32
      %dma_start3A_79 = arith.constant 0 : i32
      %dma_start3A_80 = tpu.memref_slice %arg8[%dma_start3A_78, %dma_start3A_79] : memref<64x128xf32, #tpu.memory_space<vmem>> -> memref<40x128xf32, #tpu.memory_space<vmem>>
      tpu.enqueue_dma source(%dma_start3A_80 : memref<40x128xf32, #tpu.memory_space<vmem>>) target(%dma_start3A_77 : memref<40x128xf32, #tpu.memory_space<vmem_shared>>) target_semaphore(%arg15 : memref<!tpu.dma_semaphore, #tpu.memory_space<semaphore_mem>>)
      %mul3A_81 = arith.constant 640 : i32
      %mul3A_82 = arith.muli %arg1, %mul3A_81 : i32
      %add3A_83 = arith.constant 40 : i32
      %add3A_84 = arith.addi %mul3A_82, %add3A_83 : i32
      %dma_start3A_85 = arith.constant 0 : i32
      %dma_start3A_86 = arith.constant 0 : i32
      %dma_start3A_87 = tpu.memref_slice %arg8[%dma_start3A_85, %dma_start3A_86] : memref<64x128xf32, #tpu.memory_space<vmem>> -> memref<40x128xf32, #tpu.memory_space<vmem>>
      %dma_start3A_88 = arith.constant 0 : i32
      %dma_start3A_89 = tpu.memref_slice %arg11[%add3A_84, %dma_start3A_88] : memref<10000x128xf32, #tpu.memory_space<vmem_shared>> -> memref<40x128xf32, #tpu.memory_space<vmem_shared>>
      %dma_start3A_90 = arith.constant 0 : i32
      %dma_start3A_91 = tpu.memref_slice %arg11[%add3A_84, %dma_start3A_90] : memref<10000x128xf32, #tpu.memory_space<vmem_shared>> -> memref<40x128xf32, #tpu.memory_space<vmem_shared>>
      %dma_start3A_92 = arith.constant 0 : i32
      %dma_start3A_93 = arith.constant 0 : i32
      %dma_start3A_94 = tpu.memref_slice %arg8[%dma_start3A_92, %dma_start3A_93] : memref<64x128xf32, #tpu.memory_space<vmem>> -> memref<40x128xf32, #tpu.memory_space<vmem>>
      tpu.enqueue_dma source(%dma_start3A_94 : memref<40x128xf32, #tpu.memory_space<vmem>>) target(%dma_start3A_91 : memref<40x128xf32, #tpu.memory_space<vmem_shared>>) target_semaphore(%arg15 : memref<!tpu.dma_semaphore, #tpu.memory_space<semaphore_mem>>)
      %mul3A_95 = arith.constant 640 : i32
      %mul3A_96 = arith.muli %arg1, %mul3A_95 : i32
      %add3A_97 = arith.constant 80 : i32
      %add3A_98 = arith.addi %mul3A_96, %add3A_97 : i32
      %dma_start3A_99 = arith.constant 0 : i32
      %dma_start3A_100 = arith.constant 0 : i32
      %dma_start3A_101 = tpu.memref_slice %arg8[%dma_start3A_99, %dma_start3A_100] : memref<64x128xf32, #tpu.memory_space<vmem>> -> memref<40x128xf32, #tpu.memory_space<vmem>>
      %dma_start3A_102 = arith.constant 0 : i32
      %dma_start3A_103 = tpu.memref_slice %arg11[%add3A_98, %dma_start3A_102] : memref<10000x128xf32, #tpu.memory_space<vmem_shared>> -> memref<40x128xf32, #tpu.memory_space<vmem_shared>>
      %dma_start3A_104 = arith.constant 0 : i32
      %dma_start3A_105 = tpu.memref_slice %arg11[%add3A_98, %dma_start3A_104] : memref<10000x128xf32, #tpu.memory_space<vmem_shared>> -> memref<40x128xf32, #tpu.memory_space<vmem_shared>>
      %dma_start3A_106 = arith.constant 0 : i32
      %dma_start3A_107 = arith.constant 0 : i32
      %dma_start3A_108 = tpu.memref_slice %arg8[%dma_start3A_106, %dma_start3A_107] : memref<64x128xf32, #tpu.memory_space<vmem>> -> memref<40x128xf32, #tpu.memory_space<vmem>>
      tpu.enqueue_dma source(%dma_start3A_108 : memref<40x128xf32, #tpu.memory_space<vmem>>) target(%dma_start3A_105 : memref<40x128xf32, #tpu.memory_space<vmem_shared>>) target_semaphore(%arg15 : memref<!tpu.dma_semaphore, #tpu.memory_space<semaphore_mem>>)
      %mul3A_109 = arith.constant 640 : i32
      %mul3A_110 = arith.muli %arg1, %mul3A_109 : i32
      %add3A_111 = arith.constant 120 : i32
      %add3A_112 = arith.addi %mul3A_110, %add3A_111 : i32
      %dma_start3A_113 = arith.constant 0 : i32
      %dma_start3A_114 = arith.constant 0 : i32
      %dma_start3A_115 = tpu.memref_slice %arg8[%dma_start3A_113, %dma_start3A_114] : memref<64x128xf32, #tpu.memory_space<vmem>> -> memref<40x128xf32, #tpu.memory_space<vmem>>
      %dma_start3A_116 = arith.constant 0 : i32
      %dma_start3A_117 = tpu.memref_slice %arg11[%add3A_112, %dma_start3A_116] : memref<10000x128xf32, #tpu.memory_space<vmem_shared>> -> memref<40x128xf32, #tpu.memory_space<vmem_shared>>
      %dma_start3A_118 = arith.constant 0 : i32
      %dma_start3A_119 = tpu.memref_slice %arg11[%add3A_112, %dma_start3A_118] : memref<10000x128xf32, #tpu.memory_space<vmem_shared>> -> memref<40x128xf32, #tpu.memory_space<vmem_shared>>
      %dma_start3A_120 = arith.constant 0 : i32
      %dma_start3A_121 = arith.constant 0 : i32
      %dma_start3A_122 = tpu.memref_slice %arg8[%dma_start3A_120, %dma_start3A_121] : memref<64x128xf32, #tpu.memory_space<vmem>> -> memref<40x128xf32, #tpu.memory_space<vmem>>
      tpu.enqueue_dma source(%dma_start3A_122 : memref<40x128xf32, #tpu.memory_space<vmem>>) target(%dma_start3A_119 : memref<40x128xf32, #tpu.memory_space<vmem_shared>>) target_semaphore(%arg15 : memref<!tpu.dma_semaphore, #tpu.memory_space<semaphore_mem>>)
      %mul3A_123 = arith.constant 640 : i32
      %mul3A_124 = arith.muli %arg1, %mul3A_123 : i32
      %add3A_125 = arith.constant 160 : i32
      %add3A_126 = arith.addi %mul3A_124, %add3A_125 : i32
      %dma_start3A_127 = arith.constant 0 : i32
      %dma_start3A_128 = arith.constant 0 : i32
      %dma_start3A_129 = tpu.memref_slice %arg8[%dma_start3A_127, %dma_start3A_128] : memref<64x128xf32, #tpu.memory_space<vmem>> -> memref<40x128xf32, #tpu.memory_space<vmem>>
      %dma_start3A_130 = arith.constant 0 : i32
      %dma_start3A_131 = tpu.memref_slice %arg11[%add3A_126, %dma_start3A_130] : memref<10000x128xf32, #tpu.memory_space<vmem_shared>> -> memref<40x128xf32, #tpu.memory_space<vmem_shared>>
      %dma_start3A_132 = arith.constant 0 : i32
      %dma_start3A_133 = tpu.memref_slice %arg11[%add3A_126, %dma_start3A_132] : memref<10000x128xf32, #tpu.memory_space<vmem_shared>> -> memref<40x128xf32, #tpu.memory_space<vmem_shared>>
      %dma_start3A_134 = arith.constant 0 : i32
      %dma_start3A_135 = arith.constant 0 : i32
      %dma_start3A_136 = tpu.memref_slice %arg8[%dma_start3A_134, %dma_start3A_135] : memref<64x128xf32, #tpu.memory_space<vmem>> -> memref<40x128xf32, #tpu.memory_space<vmem>>
      tpu.enqueue_dma source(%dma_start3A_136 : memref<40x128xf32, #tpu.memory_space<vmem>>) target(%dma_start3A_133 : memref<40x128xf32, #tpu.memory_space<vmem_shared>>) target_semaphore(%arg15 : memref<!tpu.dma_semaphore, #tpu.memory_space<semaphore_mem>>)
      %mul3A_137 = arith.constant 640 : i32
      %mul3A_138 = arith.muli %arg1, %mul3A_137 : i32
      %add3A_139 = arith.constant 200 : i32
      %add3A_140 = arith.addi %mul3A_138, %add3A_139 : i32
      %dma_start3A_141 = arith.constant 0 : i32
      %dma_start3A_142 = arith.constant 0 : i32
      %dma_start3A_143 = tpu.memref_slice %arg8[%dma_start3A_141, %dma_start3A_142] : memref<64x128xf32, #tpu.memory_space<vmem>> -> memref<40x128xf32, #tpu.memory_space<vmem>>
      %dma_start3A_144 = arith.constant 0 : i32
      %dma_start3A_145 = tpu.memref_slice %arg11[%add3A_140, %dma_start3A_144] : memref<10000x128xf32, #tpu.memory_space<vmem_shared>> -> memref<40x128xf32, #tpu.memory_space<vmem_shared>>
      %dma_start3A_146 = arith.constant 0 : i32
      %dma_start3A_147 = tpu.memref_slice %arg11[%add3A_140, %dma_start3A_146] : memref<10000x128xf32, #tpu.memory_space<vmem_shared>> -> memref<40x128xf32, #tpu.memory_space<vmem_shared>>
      %dma_start3A_148 = arith.constant 0 : i32
      %dma_start3A_149 = arith.constant 0 : i32
      %dma_start3A_150 = tpu.memref_slice %arg8[%dma_start3A_148, %dma_start3A_149] : memref<64x128xf32, #tpu.memory_space<vmem>> -> memref<40x128xf32, #tpu.memory_space<vmem>>
      tpu.enqueue_dma source(%dma_start3A_150 : memref<40x128xf32, #tpu.memory_space<vmem>>) target(%dma_start3A_147 : memref<40x128xf32, #tpu.memory_space<vmem_shared>>) target_semaphore(%arg15 : memref<!tpu.dma_semaphore, #tpu.memory_space<semaphore_mem>>)
      %mul3A_151 = arith.constant 640 : i32
      %mul3A_152 = arith.muli %arg1, %mul3A_151 : i32
      %add3A_153 = arith.constant 240 : i32
      %add3A_154 = arith.addi %mul3A_152, %add3A_153 : i32
      %dma_start3A_155 = arith.constant 0 : i32
      %dma_start3A_156 = arith.constant 0 : i32
      %dma_start3A_157 = tpu.memref_slice %arg8[%dma_start3A_155, %dma_start3A_156] : memref<64x128xf32, #tpu.memory_space<vmem>> -> memref<40x128xf32, #tpu.memory_space<vmem>>
      %dma_start3A_158 = arith.constant 0 : i32
      %dma_start3A_159 = tpu.memref_slice %arg11[%add3A_154, %dma_start3A_158] : memref<10000x128xf32, #tpu.memory_space<vmem_shared>> -> memref<40x128xf32, #tpu.memory_space<vmem_shared>>
      %dma_start3A_160 = arith.constant 0 : i32
      %dma_start3A_161 = tpu.memref_slice %arg11[%add3A_154, %dma_start3A_160] : memref<10000x128xf32, #tpu.memory_space<vmem_shared>> -> memref<40x128xf32, #tpu.memory_space<vmem_shared>>
      %dma_start3A_162 = arith.constant 0 : i32
      %dma_start3A_163 = arith.constant 0 : i32
      %dma_start3A_164 = tpu.memref_slice %arg8[%dma_start3A_162, %dma_start3A_163] : memref<64x128xf32, #tpu.memory_space<vmem>> -> memref<40x128xf32, #tpu.memory_space<vmem>>
      tpu.enqueue_dma source(%dma_start3A_164 : memref<40x128xf32, #tpu.memory_space<vmem>>) target(%dma_start3A_161 : memref<40x128xf32, #tpu.memory_space<vmem_shared>>) target_semaphore(%arg15 : memref<!tpu.dma_semaphore, #tpu.memory_space<semaphore_mem>>)
      %mul3A_165 = arith.constant 640 : i32
      %mul3A_166 = arith.muli %arg1, %mul3A_165 : i32
      %add3A_167 = arith.constant 280 : i32
      %add3A_168 = arith.addi %mul3A_166, %add3A_167 : i32
      %dma_start3A_169 = arith.constant 0 : i32
      %dma_start3A_170 = arith.constant 0 : i32
      %dma_start3A_171 = tpu.memref_slice %arg8[%dma_start3A_169, %dma_start3A_170] : memref<64x128xf32, #tpu.memory_space<vmem>> -> memref<40x128xf32, #tpu.memory_space<vmem>>
      %dma_start3A_172 = arith.constant 0 : i32
      %dma_start3A_173 = tpu.memref_slice %arg11[%add3A_168, %dma_start3A_172] : memref<10000x128xf32, #tpu.memory_space<vmem_shared>> -> memref<40x128xf32, #tpu.memory_space<vmem_shared>>
      %dma_start3A_174 = arith.constant 0 : i32
      %dma_start3A_175 = tpu.memref_slice %arg11[%add3A_168, %dma_start3A_174] : memref<10000x128xf32, #tpu.memory_space<vmem_shared>> -> memref<40x128xf32, #tpu.memory_space<vmem_shared>>
      %dma_start3A_176 = arith.constant 0 : i32
      %dma_start3A_177 = arith.constant 0 : i32
      %dma_start3A_178 = tpu.memref_slice %arg8[%dma_start3A_176, %dma_start3A_177] : memref<64x128xf32, #tpu.memory_space<vmem>> -> memref<40x128xf32, #tpu.memory_space<vmem>>
      tpu.enqueue_dma source(%dma_start3A_178 : memref<40x128xf32, #tpu.memory_space<vmem>>) target(%dma_start3A_175 : memref<40x128xf32, #tpu.memory_space<vmem_shared>>) target_semaphore(%arg15 : memref<!tpu.dma_semaphore, #tpu.memory_space<semaphore_mem>>)
      %mul3A_179 = arith.constant 640 : i32
      %mul3A_180 = arith.muli %arg1, %mul3A_179 : i32
      %add3A_181 = arith.constant 320 : i32
      %add3A_182 = arith.addi %mul3A_180, %add3A_181 : i32
      %dma_start3A_183 = arith.constant 0 : i32
      %dma_start3A_184 = arith.constant 0 : i32
      %dma_start3A_185 = tpu.memref_slice %arg8[%dma_start3A_183, %dma_start3A_184] : memref<64x128xf32, #tpu.memory_space<vmem>> -> memref<40x128xf32, #tpu.memory_space<vmem>>
      %dma_start3A_186 = arith.constant 0 : i32
      %dma_start3A_187 = tpu.memref_slice %arg11[%add3A_182, %dma_start3A_186] : memref<10000x128xf32, #tpu.memory_space<vmem_shared>> -> memref<40x128xf32, #tpu.memory_space<vmem_shared>>
      %dma_start3A_188 = arith.constant 0 : i32
      %dma_start3A_189 = tpu.memref_slice %arg11[%add3A_182, %dma_start3A_188] : memref<10000x128xf32, #tpu.memory_space<vmem_shared>> -> memref<40x128xf32, #tpu.memory_space<vmem_shared>>
      %dma_start3A_190 = arith.constant 0 : i32
      %dma_start3A_191 = arith.constant 0 : i32
      %dma_start3A_192 = tpu.memref_slice %arg8[%dma_start3A_190, %dma_start3A_191] : memref<64x128xf32, #tpu.memory_space<vmem>> -> memref<40x128xf32, #tpu.memory_space<vmem>>
      tpu.enqueue_dma source(%dma_start3A_192 : memref<40x128xf32, #tpu.memory_space<vmem>>) target(%dma_start3A_189 : memref<40x128xf32, #tpu.memory_space<vmem_shared>>) target_semaphore(%arg15 : memref<!tpu.dma_semaphore, #tpu.memory_space<semaphore_mem>>)
      %mul3A_193 = arith.constant 640 : i32
      %mul3A_194 = arith.muli %arg1, %mul3A_193 : i32
      %add3A_195 = arith.constant 360 : i32
      %add3A_196 = arith.addi %mul3A_194, %add3A_195 : i32
      %dma_start3A_197 = arith.constant 0 : i32
      %dma_start3A_198 = arith.constant 0 : i32
      %dma_start3A_199 = tpu.memref_slice %arg8[%dma_start3A_197, %dma_start3A_198] : memref<64x128xf32, #tpu.memory_space<vmem>> -> memref<40x128xf32, #tpu.memory_space<vmem>>
      %dma_start3A_200 = arith.constant 0 : i32
      %dma_start3A_201 = tpu.memref_slice %arg11[%add3A_196, %dma_start3A_200] : memref<10000x128xf32, #tpu.memory_space<vmem_shared>> -> memref<40x128xf32, #tpu.memory_space<vmem_shared>>
      %dma_start3A_202 = arith.constant 0 : i32
      %dma_start3A_203 = tpu.memref_slice %arg11[%add3A_196, %dma_start3A_202] : memref<10000x128xf32, #tpu.memory_space<vmem_shared>> -> memref<40x128xf32, #tpu.memory_space<vmem_shared>>
      %dma_start3A_204 = arith.constant 0 : i32
      %dma_start3A_205 = arith.constant 0 : i32
      %dma_start3A_206 = tpu.memref_slice %arg8[%dma_start3A_204, %dma_start3A_205] : memref<64x128xf32, #tpu.memory_space<vmem>> -> memref<40x128xf32, #tpu.memory_space<vmem>>
      tpu.enqueue_dma source(%dma_start3A_206 : memref<40x128xf32, #tpu.memory_space<vmem>>) target(%dma_start3A_203 : memref<40x128xf32, #tpu.memory_space<vmem_shared>>) target_semaphore(%arg15 : memref<!tpu.dma_semaphore, #tpu.memory_space<semaphore_mem>>)
      %mul3A_207 = arith.constant 640 : i32
      %mul3A_208 = arith.muli %arg1, %mul3A_207 : i32
      %add3A_209 = arith.constant 400 : i32
      %add3A_210 = arith.addi %mul3A_208, %add3A_209 : i32
      %dma_start3A_211 = arith.constant 0 : i32
      %dma_start3A_212 = arith.constant 0 : i32
      %dma_start3A_213 = tpu.memref_slice %arg8[%dma_start3A_211, %dma_start3A_212] : memref<64x128xf32, #tpu.memory_space<vmem>> -> memref<40x128xf32, #tpu.memory_space<vmem>>
      %dma_start3A_214 = arith.constant 0 : i32
      %dma_start3A_215 = tpu.memref_slice %arg11[%add3A_210, %dma_start3A_214] : memref<10000x128xf32, #tpu.memory_space<vmem_shared>> -> memref<40x128xf32, #tpu.memory_space<vmem_shared>>
      %dma_start3A_216 = arith.constant 0 : i32
      %dma_start3A_217 = tpu.memref_slice %arg11[%add3A_210, %dma_start3A_216] : memref<10000x128xf32, #tpu.memory_space<vmem_shared>> -> memref<40x128xf32, #tpu.memory_space<vmem_shared>>
      %dma_start3A_218 = arith.constant 0 : i32
      %dma_start3A_219 = arith.constant 0 : i32
      %dma_start3A_220 = tpu.memref_slice %arg8[%dma_start3A_218, %dma_start3A_219] : memref<64x128xf32, #tpu.memory_space<vmem>> -> memref<40x128xf32, #tpu.memory_space<vmem>>
      tpu.enqueue_dma source(%dma_start3A_220 : memref<40x128xf32, #tpu.memory_space<vmem>>) target(%dma_start3A_217 : memref<40x128xf32, #tpu.memory_space<vmem_shared>>) target_semaphore(%arg15 : memref<!tpu.dma_semaphore, #tpu.memory_space<semaphore_mem>>)
      %mul3A_221 = arith.constant 640 : i32
      %mul3A_222 = arith.muli %arg1, %mul3A_221 : i32
      %add3A_223 = arith.constant 440 : i32
      %add3A_224 = arith.addi %mul3A_222, %add3A_223 : i32
      %dma_start3A_225 = arith.constant 0 : i32
      %dma_start3A_226 = arith.constant 0 : i32
      %dma_start3A_227 = tpu.memref_slice %arg8[%dma_start3A_225, %dma_start3A_226] : memref<64x128xf32, #tpu.memory_space<vmem>> -> memref<40x128xf32, #tpu.memory_space<vmem>>
      %dma_start3A_228 = arith.constant 0 : i32
      %dma_start3A_229 = tpu.memref_slice %arg11[%add3A_224, %dma_start3A_228] : memref<10000x128xf32, #tpu.memory_space<vmem_shared>> -> memref<40x128xf32, #tpu.memory_space<vmem_shared>>
      %dma_start3A_230 = arith.constant 0 : i32
      %dma_start3A_231 = tpu.memref_slice %arg11[%add3A_224, %dma_start3A_230] : memref<10000x128xf32, #tpu.memory_space<vmem_shared>> -> memref<40x128xf32, #tpu.memory_space<vmem_shared>>
      %dma_start3A_232 = arith.constant 0 : i32
      %dma_start3A_233 = arith.constant 0 : i32
      %dma_start3A_234 = tpu.memref_slice %arg8[%dma_start3A_232, %dma_start3A_233] : memref<64x128xf32, #tpu.memory_space<vmem>> -> memref<40x128xf32, #tpu.memory_space<vmem>>
      tpu.enqueue_dma source(%dma_start3A_234 : memref<40x128xf32, #tpu.memory_space<vmem>>) target(%dma_start3A_231 : memref<40x128xf32, #tpu.memory_space<vmem_shared>>) target_semaphore(%arg15 : memref<!tpu.dma_semaphore, #tpu.memory_space<semaphore_mem>>)
      %mul3A_235 = arith.constant 640 : i32
      %mul3A_236 = arith.muli %arg1, %mul3A_235 : i32
      %add3A_237 = arith.constant 480 : i32
      %add3A_238 = arith.addi %mul3A_236, %add3A_237 : i32
      %dma_start3A_239 = arith.constant 0 : i32
      %dma_start3A_240 = arith.constant 0 : i32
      %dma_start3A_241 = tpu.memref_slice %arg8[%dma_start3A_239, %dma_start3A_240] : memref<64x128xf32, #tpu.memory_space<vmem>> -> memref<40x128xf32, #tpu.memory_space<vmem>>
      %dma_start3A_242 = arith.constant 0 : i32
      %dma_start3A_243 = tpu.memref_slice %arg11[%add3A_238, %dma_start3A_242] : memref<10000x128xf32, #tpu.memory_space<vmem_shared>> -> memref<40x128xf32, #tpu.memory_space<vmem_shared>>
      %dma_start3A_244 = arith.constant 0 : i32
      %dma_start3A_245 = tpu.memref_slice %arg11[%add3A_238, %dma_start3A_244] : memref<10000x128xf32, #tpu.memory_space<vmem_shared>> -> memref<40x128xf32, #tpu.memory_space<vmem_shared>>
      %dma_start3A_246 = arith.constant 0 : i32
      %dma_start3A_247 = arith.constant 0 : i32
      %dma_start3A_248 = tpu.memref_slice %arg8[%dma_start3A_246, %dma_start3A_247] : memref<64x128xf32, #tpu.memory_space<vmem>> -> memref<40x128xf32, #tpu.memory_space<vmem>>
      tpu.enqueue_dma source(%dma_start3A_248 : memref<40x128xf32, #tpu.memory_space<vmem>>) target(%dma_start3A_245 : memref<40x128xf32, #tpu.memory_space<vmem_shared>>) target_semaphore(%arg15 : memref<!tpu.dma_semaphore, #tpu.memory_space<semaphore_mem>>)
      %mul3A_249 = arith.constant 640 : i32
      %mul3A_250 = arith.muli %arg1, %mul3A_249 : i32
      %add3A_251 = arith.constant 520 : i32
      %add3A_252 = arith.addi %mul3A_250, %add3A_251 : i32
      %dma_start3A_253 = arith.constant 0 : i32
      %dma_start3A_254 = arith.constant 0 : i32
      %dma_start3A_255 = tpu.memref_slice %arg8[%dma_start3A_253, %dma_start3A_254] : memref<64x128xf32, #tpu.memory_space<vmem>> -> memref<40x128xf32, #tpu.memory_space<vmem>>
      %dma_start3A_256 = arith.constant 0 : i32
      %dma_start3A_257 = tpu.memref_slice %arg11[%add3A_252, %dma_start3A_256] : memref<10000x128xf32, #tpu.memory_space<vmem_shared>> -> memref<40x128xf32, #tpu.memory_space<vmem_shared>>
      %dma_start3A_258 = arith.constant 0 : i32
      %dma_start3A_259 = tpu.memref_slice %arg11[%add3A_252, %dma_start3A_258] : memref<10000x128xf32, #tpu.memory_space<vmem_shared>> -> memref<40x128xf32, #tpu.memory_space<vmem_shared>>
      %dma_start3A_260 = arith.constant 0 : i32
      %dma_start3A_261 = arith.constant 0 : i32
      %dma_start3A_262 = tpu.memref_slice %arg8[%dma_start3A_260, %dma_start3A_261] : memref<64x128xf32, #tpu.memory_space<vmem>> -> memref<40x128xf32, #tpu.memory_space<vmem>>
      tpu.enqueue_dma source(%dma_start3A_262 : memref<40x128xf32, #tpu.memory_space<vmem>>) target(%dma_start3A_259 : memref<40x128xf32, #tpu.memory_space<vmem_shared>>) target_semaphore(%arg15 : memref<!tpu.dma_semaphore, #tpu.memory_space<semaphore_mem>>)
      %mul3A_263 = arith.constant 640 : i32
      %mul3A_264 = arith.muli %arg1, %mul3A_263 : i32
      %add3A_265 = arith.constant 560 : i32
      %add3A_266 = arith.addi %mul3A_264, %add3A_265 : i32
      %dma_start3A_267 = arith.constant 0 : i32
      %dma_start3A_268 = arith.constant 0 : i32
      %dma_start3A_269 = tpu.memref_slice %arg8[%dma_start3A_267, %dma_start3A_268] : memref<64x128xf32, #tpu.memory_space<vmem>> -> memref<40x128xf32, #tpu.memory_space<vmem>>
      %dma_start3A_270 = arith.constant 0 : i32
      %dma_start3A_271 = tpu.memref_slice %arg11[%add3A_266, %dma_start3A_270] : memref<10000x128xf32, #tpu.memory_space<vmem_shared>> -> memref<40x128xf32, #tpu.memory_space<vmem_shared>>
      %dma_start3A_272 = arith.constant 0 : i32
      %dma_start3A_273 = tpu.memref_slice %arg11[%add3A_266, %dma_start3A_272] : memref<10000x128xf32, #tpu.memory_space<vmem_shared>> -> memref<40x128xf32, #tpu.memory_space<vmem_shared>>
      %dma_start3A_274 = arith.constant 0 : i32
      %dma_start3A_275 = arith.constant 0 : i32
      %dma_start3A_276 = tpu.memref_slice %arg8[%dma_start3A_274, %dma_start3A_275] : memref<64x128xf32, #tpu.memory_space<vmem>> -> memref<40x128xf32, #tpu.memory_space<vmem>>
      tpu.enqueue_dma source(%dma_start3A_276 : memref<40x128xf32, #tpu.memory_space<vmem>>) target(%dma_start3A_273 : memref<40x128xf32, #tpu.memory_space<vmem_shared>>) target_semaphore(%arg15 : memref<!tpu.dma_semaphore, #tpu.memory_space<semaphore_mem>>)
      %mul3A_277 = arith.constant 640 : i32
      %mul3A_278 = arith.muli %arg1, %mul3A_277 : i32
      %add3A_279 = arith.constant 600 : i32
      %add3A_280 = arith.addi %mul3A_278, %add3A_279 : i32
      %dma_start3A_281 = arith.constant 0 : i32
      %dma_start3A_282 = arith.constant 0 : i32
      %dma_start3A_283 = tpu.memref_slice %arg8[%dma_start3A_281, %dma_start3A_282] : memref<64x128xf32, #tpu.memory_space<vmem>> -> memref<40x128xf32, #tpu.memory_space<vmem>>
      %dma_start3A_284 = arith.constant 0 : i32
      %dma_start3A_285 = tpu.memref_slice %arg11[%add3A_280, %dma_start3A_284] : memref<10000x128xf32, #tpu.memory_space<vmem_shared>> -> memref<40x128xf32, #tpu.memory_space<vmem_shared>>
      %dma_start3A_286 = arith.constant 0 : i32
      %dma_start3A_287 = tpu.memref_slice %arg11[%add3A_280, %dma_start3A_286] : memref<10000x128xf32, #tpu.memory_space<vmem_shared>> -> memref<40x128xf32, #tpu.memory_space<vmem_shared>>
      %dma_start3A_288 = arith.constant 0 : i32
      %dma_start3A_289 = arith.constant 0 : i32
      %dma_start3A_290 = tpu.memref_slice %arg8[%dma_start3A_288, %dma_start3A_289] : memref<64x128xf32, #tpu.memory_space<vmem>> -> memref<40x128xf32, #tpu.memory_space<vmem>>
      tpu.enqueue_dma source(%dma_start3A_290 : memref<40x128xf32, #tpu.memory_space<vmem>>) target(%dma_start3A_287 : memref<40x128xf32, #tpu.memory_space<vmem_shared>>) target_semaphore(%arg15 : memref<!tpu.dma_semaphore, #tpu.memory_space<semaphore_mem>>)
      %mul3A_291 = arith.constant 640 : i32
      %mul3A_292 = arith.muli %arg1, %mul3A_291 : i32
      %add3A_293 = arith.constant 0 : i32
      %add3A_294 = arith.addi %mul3A_292, %add3A_293 : i32
      %dma_wait3A_295 = arith.constant 0 : i32
      %dma_wait3A_296 = arith.constant 0 : i32
      %dma_wait3A_297 = tpu.memref_slice %arg8[%dma_wait3A_295, %dma_wait3A_296] : memref<64x128xf32, #tpu.memory_space<vmem>> -> memref<40x128xf32, #tpu.memory_space<vmem>>
      %dma_wait3A_298 = arith.constant 0 : i32
      %dma_wait3A_299 = tpu.memref_slice %arg11[%add3A_294, %dma_wait3A_298] : memref<10000x128xf32, #tpu.memory_space<vmem_shared>> -> memref<40x128xf32, #tpu.memory_space<vmem_shared>>
      %dma_wait3A_300 = arith.constant 0 : i32
      %dma_wait3A_301 = tpu.memref_slice %arg11[%add3A_294, %dma_wait3A_300] : memref<10000x128xf32, #tpu.memory_space<vmem_shared>> -> memref<40x128xf32, #tpu.memory_space<vmem_shared>>
      %dma_wait3A_302 = arith.constant 0 : i32
      %dma_wait3A_303 = arith.constant 0 : i32
      %dma_wait3A_304 = tpu.memref_slice %arg8[%dma_wait3A_302, %dma_wait3A_303] : memref<64x128xf32, #tpu.memory_space<vmem>> -> memref<40x128xf32, #tpu.memory_space<vmem>>
      tpu.wait_dma2 semaphore(%arg15 : memref<!tpu.dma_semaphore, #tpu.memory_space<semaphore_mem>>) src(%dma_wait3A_304 : memref<40x128xf32, #tpu.memory_space<vmem>>) dst(%dma_wait3A_301 : memref<40x128xf32, #tpu.memory_space<vmem_shared>>)
      %mul3A_305 = arith.constant 640 : i32
      %mul3A_306 = arith.muli %arg1, %mul3A_305 : i32
      %add3A_307 = arith.constant 40 : i32
      %add3A_308 = arith.addi %mul3A_306, %add3A_307 : i32
      %dma_wait3A_309 = arith.constant 0 : i32
      %dma_wait3A_310 = arith.constant 0 : i32
      %dma_wait3A_311 = tpu.memref_slice %arg8[%dma_wait3A_309, %dma_wait3A_310] : memref<64x128xf32, #tpu.memory_space<vmem>> -> memref<40x128xf32, #tpu.memory_space<vmem>>
      %dma_wait3A_312 = arith.constant 0 : i32
      %dma_wait3A_313 = tpu.memref_slice %arg11[%add3A_308, %dma_wait3A_312] : memref<10000x128xf32, #tpu.memory_space<vmem_shared>> -> memref<40x128xf32, #tpu.memory_space<vmem_shared>>
      %dma_wait3A_314 = arith.constant 0 : i32
      %dma_wait3A_315 = tpu.memref_slice %arg11[%add3A_308, %dma_wait3A_314] : memref<10000x128xf32, #tpu.memory_space<vmem_shared>> -> memref<40x128xf32, #tpu.memory_space<vmem_shared>>
      %dma_wait3A_316 = arith.constant 0 : i32
      %dma_wait3A_317 = arith.constant 0 : i32
      %dma_wait3A_318 = tpu.memref_slice %arg8[%dma_wait3A_316, %dma_wait3A_317] : memref<64x128xf32, #tpu.memory_space<vmem>> -> memref<40x128xf32, #tpu.memory_space<vmem>>
      tpu.wait_dma2 semaphore(%arg15 : memref<!tpu.dma_semaphore, #tpu.memory_space<semaphore_mem>>) src(%dma_wait3A_318 : memref<40x128xf32, #tpu.memory_space<vmem>>) dst(%dma_wait3A_315 : memref<40x128xf32, #tpu.memory_space<vmem_shared>>)
      %mul3A_319 = arith.constant 640 : i32
      %mul3A_320 = arith.muli %arg1, %mul3A_319 : i32
      %add3A_321 = arith.constant 80 : i32
      %add3A_322 = arith.addi %mul3A_320, %add3A_321 : i32
      %dma_wait3A_323 = arith.constant 0 : i32
      %dma_wait3A_324 = arith.constant 0 : i32
      %dma_wait3A_325 = tpu.memref_slice %arg8[%dma_wait3A_323, %dma_wait3A_324] : memref<64x128xf32, #tpu.memory_space<vmem>> -> memref<40x128xf32, #tpu.memory_space<vmem>>
      %dma_wait3A_326 = arith.constant 0 : i32
      %dma_wait3A_327 = tpu.memref_slice %arg11[%add3A_322, %dma_wait3A_326] : memref<10000x128xf32, #tpu.memory_space<vmem_shared>> -> memref<40x128xf32, #tpu.memory_space<vmem_shared>>
      %dma_wait3A_328 = arith.constant 0 : i32
      %dma_wait3A_329 = tpu.memref_slice %arg11[%add3A_322, %dma_wait3A_328] : memref<10000x128xf32, #tpu.memory_space<vmem_shared>> -> memref<40x128xf32, #tpu.memory_space<vmem_shared>>
      %dma_wait3A_330 = arith.constant 0 : i32
      %dma_wait3A_331 = arith.constant 0 : i32
      %dma_wait3A_332 = tpu.memref_slice %arg8[%dma_wait3A_330, %dma_wait3A_331] : memref<64x128xf32, #tpu.memory_space<vmem>> -> memref<40x128xf32, #tpu.memory_space<vmem>>
      tpu.wait_dma2 semaphore(%arg15 : memref<!tpu.dma_semaphore, #tpu.memory_space<semaphore_mem>>) src(%dma_wait3A_332 : memref<40x128xf32, #tpu.memory_space<vmem>>) dst(%dma_wait3A_329 : memref<40x128xf32, #tpu.memory_space<vmem_shared>>)
      %mul3A_333 = arith.constant 640 : i32
      %mul3A_334 = arith.muli %arg1, %mul3A_333 : i32
      %add3A_335 = arith.constant 120 : i32
      %add3A_336 = arith.addi %mul3A_334, %add3A_335 : i32
      %dma_wait3A_337 = arith.constant 0 : i32
      %dma_wait3A_338 = arith.constant 0 : i32
      %dma_wait3A_339 = tpu.memref_slice %arg8[%dma_wait3A_337, %dma_wait3A_338] : memref<64x128xf32, #tpu.memory_space<vmem>> -> memref<40x128xf32, #tpu.memory_space<vmem>>
      %dma_wait3A_340 = arith.constant 0 : i32
      %dma_wait3A_341 = tpu.memref_slice %arg11[%add3A_336, %dma_wait3A_340] : memref<10000x128xf32, #tpu.memory_space<vmem_shared>> -> memref<40x128xf32, #tpu.memory_space<vmem_shared>>
      %dma_wait3A_342 = arith.constant 0 : i32
      %dma_wait3A_343 = tpu.memref_slice %arg11[%add3A_336, %dma_wait3A_342] : memref<10000x128xf32, #tpu.memory_space<vmem_shared>> -> memref<40x128xf32, #tpu.memory_space<vmem_shared>>
      %dma_wait3A_344 = arith.constant 0 : i32
      %dma_wait3A_345 = arith.constant 0 : i32
      %dma_wait3A_346 = tpu.memref_slice %arg8[%dma_wait3A_344, %dma_wait3A_345] : memref<64x128xf32, #tpu.memory_space<vmem>> -> memref<40x128xf32, #tpu.memory_space<vmem>>
      tpu.wait_dma2 semaphore(%arg15 : memref<!tpu.dma_semaphore, #tpu.memory_space<semaphore_mem>>) src(%dma_wait3A_346 : memref<40x128xf32, #tpu.memory_space<vmem>>) dst(%dma_wait3A_343 : memref<40x128xf32, #tpu.memory_space<vmem_shared>>)
      %mul3A_347 = arith.constant 640 : i32
      %mul3A_348 = arith.muli %arg1, %mul3A_347 : i32
      %add3A_349 = arith.constant 160 : i32
      %add3A_350 = arith.addi %mul3A_348, %add3A_349 : i32
      %dma_wait3A_351 = arith.constant 0 : i32
      %dma_wait3A_352 = arith.constant 0 : i32
      %dma_wait3A_353 = tpu.memref_slice %arg8[%dma_wait3A_351, %dma_wait3A_352] : memref<64x128xf32, #tpu.memory_space<vmem>> -> memref<40x128xf32, #tpu.memory_space<vmem>>
      %dma_wait3A_354 = arith.constant 0 : i32
      %dma_wait3A_355 = tpu.memref_slice %arg11[%add3A_350, %dma_wait3A_354] : memref<10000x128xf32, #tpu.memory_space<vmem_shared>> -> memref<40x128xf32, #tpu.memory_space<vmem_shared>>
      %dma_wait3A_356 = arith.constant 0 : i32
      %dma_wait3A_357 = tpu.memref_slice %arg11[%add3A_350, %dma_wait3A_356] : memref<10000x128xf32, #tpu.memory_space<vmem_shared>> -> memref<40x128xf32, #tpu.memory_space<vmem_shared>>
      %dma_wait3A_358 = arith.constant 0 : i32
      %dma_wait3A_359 = arith.constant 0 : i32
      %dma_wait3A_360 = tpu.memref_slice %arg8[%dma_wait3A_358, %dma_wait3A_359] : memref<64x128xf32, #tpu.memory_space<vmem>> -> memref<40x128xf32, #tpu.memory_space<vmem>>
      tpu.wait_dma2 semaphore(%arg15 : memref<!tpu.dma_semaphore, #tpu.memory_space<semaphore_mem>>) src(%dma_wait3A_360 : memref<40x128xf32, #tpu.memory_space<vmem>>) dst(%dma_wait3A_357 : memref<40x128xf32, #tpu.memory_space<vmem_shared>>)
      %mul3A_361 = arith.constant 640 : i32
      %mul3A_362 = arith.muli %arg1, %mul3A_361 : i32
      %add3A_363 = arith.constant 200 : i32
      %add3A_364 = arith.addi %mul3A_362, %add3A_363 : i32
      %dma_wait3A_365 = arith.constant 0 : i32
      %dma_wait3A_366 = arith.constant 0 : i32
      %dma_wait3A_367 = tpu.memref_slice %arg8[%dma_wait3A_365, %dma_wait3A_366] : memref<64x128xf32, #tpu.memory_space<vmem>> -> memref<40x128xf32, #tpu.memory_space<vmem>>
      %dma_wait3A_368 = arith.constant 0 : i32
      %dma_wait3A_369 = tpu.memref_slice %arg11[%add3A_364, %dma_wait3A_368] : memref<10000x128xf32, #tpu.memory_space<vmem_shared>> -> memref<40x128xf32, #tpu.memory_space<vmem_shared>>
      %dma_wait3A_370 = arith.constant 0 : i32
      %dma_wait3A_371 = tpu.memref_slice %arg11[%add3A_364, %dma_wait3A_370] : memref<10000x128xf32, #tpu.memory_space<vmem_shared>> -> memref<40x128xf32, #tpu.memory_space<vmem_shared>>
      %dma_wait3A_372 = arith.constant 0 : i32
      %dma_wait3A_373 = arith.constant 0 : i32
      %dma_wait3A_374 = tpu.memref_slice %arg8[%dma_wait3A_372, %dma_wait3A_373] : memref<64x128xf32, #tpu.memory_space<vmem>> -> memref<40x128xf32, #tpu.memory_space<vmem>>
      tpu.wait_dma2 semaphore(%arg15 : memref<!tpu.dma_semaphore, #tpu.memory_space<semaphore_mem>>) src(%dma_wait3A_374 : memref<40x128xf32, #tpu.memory_space<vmem>>) dst(%dma_wait3A_371 : memref<40x128xf32, #tpu.memory_space<vmem_shared>>)
      %mul3A_375 = arith.constant 640 : i32
      %mul3A_376 = arith.muli %arg1, %mul3A_375 : i32
      %add3A_377 = arith.constant 240 : i32
      %add3A_378 = arith.addi %mul3A_376, %add3A_377 : i32
      %dma_wait3A_379 = arith.constant 0 : i32
      %dma_wait3A_380 = arith.constant 0 : i32
      %dma_wait3A_381 = tpu.memref_slice %arg8[%dma_wait3A_379, %dma_wait3A_380] : memref<64x128xf32, #tpu.memory_space<vmem>> -> memref<40x128xf32, #tpu.memory_space<vmem>>
      %dma_wait3A_382 = arith.constant 0 : i32
      %dma_wait3A_383 = tpu.memref_slice %arg11[%add3A_378, %dma_wait3A_382] : memref<10000x128xf32, #tpu.memory_space<vmem_shared>> -> memref<40x128xf32, #tpu.memory_space<vmem_shared>>
      %dma_wait3A_384 = arith.constant 0 : i32
      %dma_wait3A_385 = tpu.memref_slice %arg11[%add3A_378, %dma_wait3A_384] : memref<10000x128xf32, #tpu.memory_space<vmem_shared>> -> memref<40x128xf32, #tpu.memory_space<vmem_shared>>
      %dma_wait3A_386 = arith.constant 0 : i32
      %dma_wait3A_387 = arith.constant 0 : i32
      %dma_wait3A_388 = tpu.memref_slice %arg8[%dma_wait3A_386, %dma_wait3A_387] : memref<64x128xf32, #tpu.memory_space<vmem>> -> memref<40x128xf32, #tpu.memory_space<vmem>>
      tpu.wait_dma2 semaphore(%arg15 : memref<!tpu.dma_semaphore, #tpu.memory_space<semaphore_mem>>) src(%dma_wait3A_388 : memref<40x128xf32, #tpu.memory_space<vmem>>) dst(%dma_wait3A_385 : memref<40x128xf32, #tpu.memory_space<vmem_shared>>)
      %mul3A_389 = arith.constant 640 : i32
      %mul3A_390 = arith.muli %arg1, %mul3A_389 : i32
      %add3A_391 = arith.constant 280 : i32
      %add3A_392 = arith.addi %mul3A_390, %add3A_391 : i32
      %dma_wait3A_393 = arith.constant 0 : i32
      %dma_wait3A_394 = arith.constant 0 : i32
      %dma_wait3A_395 = tpu.memref_slice %arg8[%dma_wait3A_393, %dma_wait3A_394] : memref<64x128xf32, #tpu.memory_space<vmem>> -> memref<40x128xf32, #tpu.memory_space<vmem>>
      %dma_wait3A_396 = arith.constant 0 : i32
      %dma_wait3A_397 = tpu.memref_slice %arg11[%add3A_392, %dma_wait3A_396] : memref<10000x128xf32, #tpu.memory_space<vmem_shared>> -> memref<40x128xf32, #tpu.memory_space<vmem_shared>>
      %dma_wait3A_398 = arith.constant 0 : i32
      %dma_wait3A_399 = tpu.memref_slice %arg11[%add3A_392, %dma_wait3A_398] : memref<10000x128xf32, #tpu.memory_space<vmem_shared>> -> memref<40x128xf32, #tpu.memory_space<vmem_shared>>
      %dma_wait3A_400 = arith.constant 0 : i32
      %dma_wait3A_401 = arith.constant 0 : i32
      %dma_wait3A_402 = tpu.memref_slice %arg8[%dma_wait3A_400, %dma_wait3A_401] : memref<64x128xf32, #tpu.memory_space<vmem>> -> memref<40x128xf32, #tpu.memory_space<vmem>>
      tpu.wait_dma2 semaphore(%arg15 : memref<!tpu.dma_semaphore, #tpu.memory_space<semaphore_mem>>) src(%dma_wait3A_402 : memref<40x128xf32, #tpu.memory_space<vmem>>) dst(%dma_wait3A_399 : memref<40x128xf32, #tpu.memory_space<vmem_shared>>)
      %mul3A_403 = arith.constant 640 : i32
      %mul3A_404 = arith.muli %arg1, %mul3A_403 : i32
      %add3A_405 = arith.constant 320 : i32
      %add3A_406 = arith.addi %mul3A_404, %add3A_405 : i32
      %dma_wait3A_407 = arith.constant 0 : i32
      %dma_wait3A_408 = arith.constant 0 : i32
      %dma_wait3A_409 = tpu.memref_slice %arg8[%dma_wait3A_407, %dma_wait3A_408] : memref<64x128xf32, #tpu.memory_space<vmem>> -> memref<40x128xf32, #tpu.memory_space<vmem>>
      %dma_wait3A_410 = arith.constant 0 : i32
      %dma_wait3A_411 = tpu.memref_slice %arg11[%add3A_406, %dma_wait3A_410] : memref<10000x128xf32, #tpu.memory_space<vmem_shared>> -> memref<40x128xf32, #tpu.memory_space<vmem_shared>>
      %dma_wait3A_412 = arith.constant 0 : i32
      %dma_wait3A_413 = tpu.memref_slice %arg11[%add3A_406, %dma_wait3A_412] : memref<10000x128xf32, #tpu.memory_space<vmem_shared>> -> memref<40x128xf32, #tpu.memory_space<vmem_shared>>
      %dma_wait3A_414 = arith.constant 0 : i32
      %dma_wait3A_415 = arith.constant 0 : i32
      %dma_wait3A_416 = tpu.memref_slice %arg8[%dma_wait3A_414, %dma_wait3A_415] : memref<64x128xf32, #tpu.memory_space<vmem>> -> memref<40x128xf32, #tpu.memory_space<vmem>>
      tpu.wait_dma2 semaphore(%arg15 : memref<!tpu.dma_semaphore, #tpu.memory_space<semaphore_mem>>) src(%dma_wait3A_416 : memref<40x128xf32, #tpu.memory_space<vmem>>) dst(%dma_wait3A_413 : memref<40x128xf32, #tpu.memory_space<vmem_shared>>)
      %mul3A_417 = arith.constant 640 : i32
      %mul3A_418 = arith.muli %arg1, %mul3A_417 : i32
      %add3A_419 = arith.constant 360 : i32
      %add3A_420 = arith.addi %mul3A_418, %add3A_419 : i32
      %dma_wait3A_421 = arith.constant 0 : i32
      %dma_wait3A_422 = arith.constant 0 : i32
      %dma_wait3A_423 = tpu.memref_slice %arg8[%dma_wait3A_421, %dma_wait3A_422] : memref<64x128xf32, #tpu.memory_space<vmem>> -> memref<40x128xf32, #tpu.memory_space<vmem>>
      %dma_wait3A_424 = arith.constant 0 : i32
      %dma_wait3A_425 = tpu.memref_slice %arg11[%add3A_420, %dma_wait3A_424] : memref<10000x128xf32, #tpu.memory_space<vmem_shared>> -> memref<40x128xf32, #tpu.memory_space<vmem_shared>>
      %dma_wait3A_426 = arith.constant 0 : i32
      %dma_wait3A_427 = tpu.memref_slice %arg11[%add3A_420, %dma_wait3A_426] : memref<10000x128xf32, #tpu.memory_space<vmem_shared>> -> memref<40x128xf32, #tpu.memory_space<vmem_shared>>
      %dma_wait3A_428 = arith.constant 0 : i32
      %dma_wait3A_429 = arith.constant 0 : i32
      %dma_wait3A_430 = tpu.memref_slice %arg8[%dma_wait3A_428, %dma_wait3A_429] : memref<64x128xf32, #tpu.memory_space<vmem>> -> memref<40x128xf32, #tpu.memory_space<vmem>>
      tpu.wait_dma2 semaphore(%arg15 : memref<!tpu.dma_semaphore, #tpu.memory_space<semaphore_mem>>) src(%dma_wait3A_430 : memref<40x128xf32, #tpu.memory_space<vmem>>) dst(%dma_wait3A_427 : memref<40x128xf32, #tpu.memory_space<vmem_shared>>)
      %mul3A_431 = arith.constant 640 : i32
      %mul3A_432 = arith.muli %arg1, %mul3A_431 : i32
      %add3A_433 = arith.constant 400 : i32
      %add3A_434 = arith.addi %mul3A_432, %add3A_433 : i32
      %dma_wait3A_435 = arith.constant 0 : i32
      %dma_wait3A_436 = arith.constant 0 : i32
      %dma_wait3A_437 = tpu.memref_slice %arg8[%dma_wait3A_435, %dma_wait3A_436] : memref<64x128xf32, #tpu.memory_space<vmem>> -> memref<40x128xf32, #tpu.memory_space<vmem>>
      %dma_wait3A_438 = arith.constant 0 : i32
      %dma_wait3A_439 = tpu.memref_slice %arg11[%add3A_434, %dma_wait3A_438] : memref<10000x128xf32, #tpu.memory_space<vmem_shared>> -> memref<40x128xf32, #tpu.memory_space<vmem_shared>>
      %dma_wait3A_440 = arith.constant 0 : i32
      %dma_wait3A_441 = tpu.memref_slice %arg11[%add3A_434, %dma_wait3A_440] : memref<10000x128xf32, #tpu.memory_space<vmem_shared>> -> memref<40x128xf32, #tpu.memory_space<vmem_shared>>
      %dma_wait3A_442 = arith.constant 0 : i32
      %dma_wait3A_443 = arith.constant 0 : i32
      %dma_wait3A_444 = tpu.memref_slice %arg8[%dma_wait3A_442, %dma_wait3A_443] : memref<64x128xf32, #tpu.memory_space<vmem>> -> memref<40x128xf32, #tpu.memory_space<vmem>>
      tpu.wait_dma2 semaphore(%arg15 : memref<!tpu.dma_semaphore, #tpu.memory_space<semaphore_mem>>) src(%dma_wait3A_444 : memref<40x128xf32, #tpu.memory_space<vmem>>) dst(%dma_wait3A_441 : memref<40x128xf32, #tpu.memory_space<vmem_shared>>)
      %mul3A_445 = arith.constant 640 : i32
      %mul3A_446 = arith.muli %arg1, %mul3A_445 : i32
      %add3A_447 = arith.constant 440 : i32
      %add3A_448 = arith.addi %mul3A_446, %add3A_447 : i32
      %dma_wait3A_449 = arith.constant 0 : i32
      %dma_wait3A_450 = arith.constant 0 : i32
      %dma_wait3A_451 = tpu.memref_slice %arg8[%dma_wait3A_449, %dma_wait3A_450] : memref<64x128xf32, #tpu.memory_space<vmem>> -> memref<40x128xf32, #tpu.memory_space<vmem>>
      %dma_wait3A_452 = arith.constant 0 : i32
      %dma_wait3A_453 = tpu.memref_slice %arg11[%add3A_448, %dma_wait3A_452] : memref<10000x128xf32, #tpu.memory_space<vmem_shared>> -> memref<40x128xf32, #tpu.memory_space<vmem_shared>>
      %dma_wait3A_454 = arith.constant 0 : i32
      %dma_wait3A_455 = tpu.memref_slice %arg11[%add3A_448, %dma_wait3A_454] : memref<10000x128xf32, #tpu.memory_space<vmem_shared>> -> memref<40x128xf32, #tpu.memory_space<vmem_shared>>
      %dma_wait3A_456 = arith.constant 0 : i32
      %dma_wait3A_457 = arith.constant 0 : i32
      %dma_wait3A_458 = tpu.memref_slice %arg8[%dma_wait3A_456, %dma_wait3A_457] : memref<64x128xf32, #tpu.memory_space<vmem>> -> memref<40x128xf32, #tpu.memory_space<vmem>>
      tpu.wait_dma2 semaphore(%arg15 : memref<!tpu.dma_semaphore, #tpu.memory_space<semaphore_mem>>) src(%dma_wait3A_458 : memref<40x128xf32, #tpu.memory_space<vmem>>) dst(%dma_wait3A_455 : memref<40x128xf32, #tpu.memory_space<vmem_shared>>)
      %mul3A_459 = arith.constant 640 : i32
      %mul3A_460 = arith.muli %arg1, %mul3A_459 : i32
      %add3A_461 = arith.constant 480 : i32
      %add3A_462 = arith.addi %mul3A_460, %add3A_461 : i32
      %dma_wait3A_463 = arith.constant 0 : i32
      %dma_wait3A_464 = arith.constant 0 : i32
      %dma_wait3A_465 = tpu.memref_slice %arg8[%dma_wait3A_463, %dma_wait3A_464] : memref<64x128xf32, #tpu.memory_space<vmem>> -> memref<40x128xf32, #tpu.memory_space<vmem>>
      %dma_wait3A_466 = arith.constant 0 : i32
      %dma_wait3A_467 = tpu.memref_slice %arg11[%add3A_462, %dma_wait3A_466] : memref<10000x128xf32, #tpu.memory_space<vmem_shared>> -> memref<40x128xf32, #tpu.memory_space<vmem_shared>>
      %dma_wait3A_468 = arith.constant 0 : i32
      %dma_wait3A_469 = tpu.memref_slice %arg11[%add3A_462, %dma_wait3A_468] : memref<10000x128xf32, #tpu.memory_space<vmem_shared>> -> memref<40x128xf32, #tpu.memory_space<vmem_shared>>
      %dma_wait3A_470 = arith.constant 0 : i32
      %dma_wait3A_471 = arith.constant 0 : i32
      %dma_wait3A_472 = tpu.memref_slice %arg8[%dma_wait3A_470, %dma_wait3A_471] : memref<64x128xf32, #tpu.memory_space<vmem>> -> memref<40x128xf32, #tpu.memory_space<vmem>>
      tpu.wait_dma2 semaphore(%arg15 : memref<!tpu.dma_semaphore, #tpu.memory_space<semaphore_mem>>) src(%dma_wait3A_472 : memref<40x128xf32, #tpu.memory_space<vmem>>) dst(%dma_wait3A_469 : memref<40x128xf32, #tpu.memory_space<vmem_shared>>)
      %mul3A_473 = arith.constant 640 : i32
      %mul3A_474 = arith.muli %arg1, %mul3A_473 : i32
      %add3A_475 = arith.constant 520 : i32
      %add3A_476 = arith.addi %mul3A_474, %add3A_475 : i32
      %dma_wait3A_477 = arith.constant 0 : i32
      %dma_wait3A_478 = arith.constant 0 : i32
      %dma_wait3A_479 = tpu.memref_slice %arg8[%dma_wait3A_477, %dma_wait3A_478] : memref<64x128xf32, #tpu.memory_space<vmem>> -> memref<40x128xf32, #tpu.memory_space<vmem>>
      %dma_wait3A_480 = arith.constant 0 : i32
      %dma_wait3A_481 = tpu.memref_slice %arg11[%add3A_476, %dma_wait3A_480] : memref<10000x128xf32, #tpu.memory_space<vmem_shared>> -> memref<40x128xf32, #tpu.memory_space<vmem_shared>>
      %dma_wait3A_482 = arith.constant 0 : i32
      %dma_wait3A_483 = tpu.memref_slice %arg11[%add3A_476, %dma_wait3A_482] : memref<10000x128xf32, #tpu.memory_space<vmem_shared>> -> memref<40x128xf32, #tpu.memory_space<vmem_shared>>
      %dma_wait3A_484 = arith.constant 0 : i32
      %dma_wait3A_485 = arith.constant 0 : i32
      %dma_wait3A_486 = tpu.memref_slice %arg8[%dma_wait3A_484, %dma_wait3A_485] : memref<64x128xf32, #tpu.memory_space<vmem>> -> memref<40x128xf32, #tpu.memory_space<vmem>>
      tpu.wait_dma2 semaphore(%arg15 : memref<!tpu.dma_semaphore, #tpu.memory_space<semaphore_mem>>) src(%dma_wait3A_486 : memref<40x128xf32, #tpu.memory_space<vmem>>) dst(%dma_wait3A_483 : memref<40x128xf32, #tpu.memory_space<vmem_shared>>)
      %mul3A_487 = arith.constant 640 : i32
      %mul3A_488 = arith.muli %arg1, %mul3A_487 : i32
      %add3A_489 = arith.constant 560 : i32
      %add3A_490 = arith.addi %mul3A_488, %add3A_489 : i32
      %dma_wait3A_491 = arith.constant 0 : i32
      %dma_wait3A_492 = arith.constant 0 : i32
      %dma_wait3A_493 = tpu.memref_slice %arg8[%dma_wait3A_491, %dma_wait3A_492] : memref<64x128xf32, #tpu.memory_space<vmem>> -> memref<40x128xf32, #tpu.memory_space<vmem>>
      %dma_wait3A_494 = arith.constant 0 : i32
      %dma_wait3A_495 = tpu.memref_slice %arg11[%add3A_490, %dma_wait3A_494] : memref<10000x128xf32, #tpu.memory_space<vmem_shared>> -> memref<40x128xf32, #tpu.memory_space<vmem_shared>>
      %dma_wait3A_496 = arith.constant 0 : i32
      %dma_wait3A_497 = tpu.memref_slice %arg11[%add3A_490, %dma_wait3A_496] : memref<10000x128xf32, #tpu.memory_space<vmem_shared>> -> memref<40x128xf32, #tpu.memory_space<vmem_shared>>
      %dma_wait3A_498 = arith.constant 0 : i32
      %dma_wait3A_499 = arith.constant 0 : i32
      %dma_wait3A_500 = tpu.memref_slice %arg8[%dma_wait3A_498, %dma_wait3A_499] : memref<64x128xf32, #tpu.memory_space<vmem>> -> memref<40x128xf32, #tpu.memory_space<vmem>>
      tpu.wait_dma2 semaphore(%arg15 : memref<!tpu.dma_semaphore, #tpu.memory_space<semaphore_mem>>) src(%dma_wait3A_500 : memref<40x128xf32, #tpu.memory_space<vmem>>) dst(%dma_wait3A_497 : memref<40x128xf32, #tpu.memory_space<vmem_shared>>)
      %mul3A_501 = arith.constant 640 : i32
      %mul3A_502 = arith.muli %arg1, %mul3A_501 : i32
      %add3A_503 = arith.constant 600 : i32
      %add3A_504 = arith.addi %mul3A_502, %add3A_503 : i32
      %dma_wait3A_505 = arith.constant 0 : i32
      %dma_wait3A_506 = arith.constant 0 : i32
      %dma_wait3A_507 = tpu.memref_slice %arg8[%dma_wait3A_505, %dma_wait3A_506] : memref<64x128xf32, #tpu.memory_space<vmem>> -> memref<40x128xf32, #tpu.memory_space<vmem>>
      %dma_wait3A_508 = arith.constant 0 : i32
      %dma_wait3A_509 = tpu.memref_slice %arg11[%add3A_504, %dma_wait3A_508] : memref<10000x128xf32, #tpu.memory_space<vmem_shared>> -> memref<40x128xf32, #tpu.memory_space<vmem_shared>>
      %dma_wait3A_510 = arith.constant 0 : i32
      %dma_wait3A_511 = tpu.memref_slice %arg11[%add3A_504, %dma_wait3A_510] : memref<10000x128xf32, #tpu.memory_space<vmem_shared>> -> memref<40x128xf32, #tpu.memory_space<vmem_shared>>
      %dma_wait3A_512 = arith.constant 0 : i32
      %dma_wait3A_513 = arith.constant 0 : i32
      %dma_wait3A_514 = tpu.memref_slice %arg8[%dma_wait3A_512, %dma_wait3A_513] : memref<64x128xf32, #tpu.memory_space<vmem>> -> memref<40x128xf32, #tpu.memory_space<vmem>>
      tpu.wait_dma2 semaphore(%arg15 : memref<!tpu.dma_semaphore, #tpu.memory_space<semaphore_mem>>) src(%dma_wait3A_514 : memref<40x128xf32, #tpu.memory_space<vmem>>) dst(%dma_wait3A_511 : memref<40x128xf32, #tpu.memory_space<vmem_shared>>)
    } else {
    }
    %eq3A = arith.constant 15 : i32
    %eq3A_18 = arith.cmpi eq, %arg1, %eq3A : i32
    %convert_element_type3A_19 = arith.extui %eq3A_18 : i1 to i32
    %cond3A_20 = arith.constant 0 : i32
    %cond3A_21 = arith.cmpi ne, %convert_element_type3A_19, %cond3A_20 : i32
    scf.if %cond3A_21 {
      %dma_start3A_67 = arith.constant 0 : i32
      %dma_start3A_68 = arith.constant 0 : i32
      %dma_start3A_69 = tpu.memref_slice %arg8[%dma_start3A_67, %dma_start3A_68] : memref<64x128xf32, #tpu.memory_space<vmem>> -> memref<40x128xf32, #tpu.memory_space<vmem>>
      %dma_start3A_70 = arith.constant 9600 : i32
      %dma_start3A_71 = arith.constant 0 : i32
      %dma_start3A_72 = tpu.memref_slice %arg11[%dma_start3A_70, %dma_start3A_71] : memref<10000x128xf32, #tpu.memory_space<vmem_shared>> -> memref<40x128xf32, #tpu.memory_space<vmem_shared>>
      %dma_start3A_73 = arith.constant 9600 : i32
      %dma_start3A_74 = arith.constant 0 : i32
      %dma_start3A_75 = tpu.memref_slice %arg11[%dma_start3A_73, %dma_start3A_74] : memref<10000x128xf32, #tpu.memory_space<vmem_shared>> -> memref<40x128xf32, #tpu.memory_space<vmem_shared>>
      %dma_start3A_76 = arith.constant 0 : i32
      %dma_start3A_77 = arith.constant 0 : i32
      %dma_start3A_78 = tpu.memref_slice %arg8[%dma_start3A_76, %dma_start3A_77] : memref<64x128xf32, #tpu.memory_space<vmem>> -> memref<40x128xf32, #tpu.memory_space<vmem>>
      tpu.enqueue_dma source(%dma_start3A_78 : memref<40x128xf32, #tpu.memory_space<vmem>>) target(%dma_start3A_75 : memref<40x128xf32, #tpu.memory_space<vmem_shared>>) target_semaphore(%arg15 : memref<!tpu.dma_semaphore, #tpu.memory_space<semaphore_mem>>)
      %dma_start3A_79 = arith.constant 0 : i32
      %dma_start3A_80 = arith.constant 0 : i32
      %dma_start3A_81 = tpu.memref_slice %arg8[%dma_start3A_79, %dma_start3A_80] : memref<64x128xf32, #tpu.memory_space<vmem>> -> memref<40x128xf32, #tpu.memory_space<vmem>>
      %dma_start3A_82 = arith.constant 9640 : i32
      %dma_start3A_83 = arith.constant 0 : i32
      %dma_start3A_84 = tpu.memref_slice %arg11[%dma_start3A_82, %dma_start3A_83] : memref<10000x128xf32, #tpu.memory_space<vmem_shared>> -> memref<40x128xf32, #tpu.memory_space<vmem_shared>>
      %dma_start3A_85 = arith.constant 9640 : i32
      %dma_start3A_86 = arith.constant 0 : i32
      %dma_start3A_87 = tpu.memref_slice %arg11[%dma_start3A_85, %dma_start3A_86] : memref<10000x128xf32, #tpu.memory_space<vmem_shared>> -> memref<40x128xf32, #tpu.memory_space<vmem_shared>>
      %dma_start3A_88 = arith.constant 0 : i32
      %dma_start3A_89 = arith.constant 0 : i32
      %dma_start3A_90 = tpu.memref_slice %arg8[%dma_start3A_88, %dma_start3A_89] : memref<64x128xf32, #tpu.memory_space<vmem>> -> memref<40x128xf32, #tpu.memory_space<vmem>>
      tpu.enqueue_dma source(%dma_start3A_90 : memref<40x128xf32, #tpu.memory_space<vmem>>) target(%dma_start3A_87 : memref<40x128xf32, #tpu.memory_space<vmem_shared>>) target_semaphore(%arg15 : memref<!tpu.dma_semaphore, #tpu.memory_space<semaphore_mem>>)
      %dma_start3A_91 = arith.constant 0 : i32
      %dma_start3A_92 = arith.constant 0 : i32
      %dma_start3A_93 = tpu.memref_slice %arg8[%dma_start3A_91, %dma_start3A_92] : memref<64x128xf32, #tpu.memory_space<vmem>> -> memref<40x128xf32, #tpu.memory_space<vmem>>
      %dma_start3A_94 = arith.constant 9680 : i32
      %dma_start3A_95 = arith.constant 0 : i32
      %dma_start3A_96 = tpu.memref_slice %arg11[%dma_start3A_94, %dma_start3A_95] : memref<10000x128xf32, #tpu.memory_space<vmem_shared>> -> memref<40x128xf32, #tpu.memory_space<vmem_shared>>
      %dma_start3A_97 = arith.constant 9680 : i32
      %dma_start3A_98 = arith.constant 0 : i32
      %dma_start3A_99 = tpu.memref_slice %arg11[%dma_start3A_97, %dma_start3A_98] : memref<10000x128xf32, #tpu.memory_space<vmem_shared>> -> memref<40x128xf32, #tpu.memory_space<vmem_shared>>
      %dma_start3A_100 = arith.constant 0 : i32
      %dma_start3A_101 = arith.constant 0 : i32
      %dma_start3A_102 = tpu.memref_slice %arg8[%dma_start3A_100, %dma_start3A_101] : memref<64x128xf32, #tpu.memory_space<vmem>> -> memref<40x128xf32, #tpu.memory_space<vmem>>
      tpu.enqueue_dma source(%dma_start3A_102 : memref<40x128xf32, #tpu.memory_space<vmem>>) target(%dma_start3A_99 : memref<40x128xf32, #tpu.memory_space<vmem_shared>>) target_semaphore(%arg15 : memref<!tpu.dma_semaphore, #tpu.memory_space<semaphore_mem>>)
      %dma_start3A_103 = arith.constant 0 : i32
      %dma_start3A_104 = arith.constant 0 : i32
      %dma_start3A_105 = tpu.memref_slice %arg8[%dma_start3A_103, %dma_start3A_104] : memref<64x128xf32, #tpu.memory_space<vmem>> -> memref<40x128xf32, #tpu.memory_space<vmem>>
      %dma_start3A_106 = arith.constant 9720 : i32
      %dma_start3A_107 = arith.constant 0 : i32
      %dma_start3A_108 = tpu.memref_slice %arg11[%dma_start3A_106, %dma_start3A_107] : memref<10000x128xf32, #tpu.memory_space<vmem_shared>> -> memref<40x128xf32, #tpu.memory_space<vmem_shared>>
      %dma_start3A_109 = arith.constant 9720 : i32
      %dma_start3A_110 = arith.constant 0 : i32
      %dma_start3A_111 = tpu.memref_slice %arg11[%dma_start3A_109, %dma_start3A_110] : memref<10000x128xf32, #tpu.memory_space<vmem_shared>> -> memref<40x128xf32, #tpu.memory_space<vmem_shared>>
      %dma_start3A_112 = arith.constant 0 : i32
      %dma_start3A_113 = arith.constant 0 : i32
      %dma_start3A_114 = tpu.memref_slice %arg8[%dma_start3A_112, %dma_start3A_113] : memref<64x128xf32, #tpu.memory_space<vmem>> -> memref<40x128xf32, #tpu.memory_space<vmem>>
      tpu.enqueue_dma source(%dma_start3A_114 : memref<40x128xf32, #tpu.memory_space<vmem>>) target(%dma_start3A_111 : memref<40x128xf32, #tpu.memory_space<vmem_shared>>) target_semaphore(%arg15 : memref<!tpu.dma_semaphore, #tpu.memory_space<semaphore_mem>>)
      %dma_start3A_115 = arith.constant 0 : i32
      %dma_start3A_116 = arith.constant 0 : i32
      %dma_start3A_117 = tpu.memref_slice %arg8[%dma_start3A_115, %dma_start3A_116] : memref<64x128xf32, #tpu.memory_space<vmem>> -> memref<40x128xf32, #tpu.memory_space<vmem>>
      %dma_start3A_118 = arith.constant 9760 : i32
      %dma_start3A_119 = arith.constant 0 : i32
      %dma_start3A_120 = tpu.memref_slice %arg11[%dma_start3A_118, %dma_start3A_119] : memref<10000x128xf32, #tpu.memory_space<vmem_shared>> -> memref<40x128xf32, #tpu.memory_space<vmem_shared>>
      %dma_start3A_121 = arith.constant 9760 : i32
      %dma_start3A_122 = arith.constant 0 : i32
      %dma_start3A_123 = tpu.memref_slice %arg11[%dma_start3A_121, %dma_start3A_122] : memref<10000x128xf32, #tpu.memory_space<vmem_shared>> -> memref<40x128xf32, #tpu.memory_space<vmem_shared>>
      %dma_start3A_124 = arith.constant 0 : i32
      %dma_start3A_125 = arith.constant 0 : i32
      %dma_start3A_126 = tpu.memref_slice %arg8[%dma_start3A_124, %dma_start3A_125] : memref<64x128xf32, #tpu.memory_space<vmem>> -> memref<40x128xf32, #tpu.memory_space<vmem>>
      tpu.enqueue_dma source(%dma_start3A_126 : memref<40x128xf32, #tpu.memory_space<vmem>>) target(%dma_start3A_123 : memref<40x128xf32, #tpu.memory_space<vmem_shared>>) target_semaphore(%arg15 : memref<!tpu.dma_semaphore, #tpu.memory_space<semaphore_mem>>)
      %dma_start3A_127 = arith.constant 0 : i32
      %dma_start3A_128 = arith.constant 0 : i32
      %dma_start3A_129 = tpu.memref_slice %arg8[%dma_start3A_127, %dma_start3A_128] : memref<64x128xf32, #tpu.memory_space<vmem>> -> memref<40x128xf32, #tpu.memory_space<vmem>>
      %dma_start3A_130 = arith.constant 9800 : i32
      %dma_start3A_131 = arith.constant 0 : i32
      %dma_start3A_132 = tpu.memref_slice %arg11[%dma_start3A_130, %dma_start3A_131] : memref<10000x128xf32, #tpu.memory_space<vmem_shared>> -> memref<40x128xf32, #tpu.memory_space<vmem_shared>>
      %dma_start3A_133 = arith.constant 9800 : i32
      %dma_start3A_134 = arith.constant 0 : i32
      %dma_start3A_135 = tpu.memref_slice %arg11[%dma_start3A_133, %dma_start3A_134] : memref<10000x128xf32, #tpu.memory_space<vmem_shared>> -> memref<40x128xf32, #tpu.memory_space<vmem_shared>>
      %dma_start3A_136 = arith.constant 0 : i32
      %dma_start3A_137 = arith.constant 0 : i32
      %dma_start3A_138 = tpu.memref_slice %arg8[%dma_start3A_136, %dma_start3A_137] : memref<64x128xf32, #tpu.memory_space<vmem>> -> memref<40x128xf32, #tpu.memory_space<vmem>>
      tpu.enqueue_dma source(%dma_start3A_138 : memref<40x128xf32, #tpu.memory_space<vmem>>) target(%dma_start3A_135 : memref<40x128xf32, #tpu.memory_space<vmem_shared>>) target_semaphore(%arg15 : memref<!tpu.dma_semaphore, #tpu.memory_space<semaphore_mem>>)
      %dma_start3A_139 = arith.constant 0 : i32
      %dma_start3A_140 = arith.constant 0 : i32
      %dma_start3A_141 = tpu.memref_slice %arg8[%dma_start3A_139, %dma_start3A_140] : memref<64x128xf32, #tpu.memory_space<vmem>> -> memref<40x128xf32, #tpu.memory_space<vmem>>
      %dma_start3A_142 = arith.constant 9840 : i32
      %dma_start3A_143 = arith.constant 0 : i32
      %dma_start3A_144 = tpu.memref_slice %arg11[%dma_start3A_142, %dma_start3A_143] : memref<10000x128xf32, #tpu.memory_space<vmem_shared>> -> memref<40x128xf32, #tpu.memory_space<vmem_shared>>
      %dma_start3A_145 = arith.constant 9840 : i32
      %dma_start3A_146 = arith.constant 0 : i32
      %dma_start3A_147 = tpu.memref_slice %arg11[%dma_start3A_145, %dma_start3A_146] : memref<10000x128xf32, #tpu.memory_space<vmem_shared>> -> memref<40x128xf32, #tpu.memory_space<vmem_shared>>
      %dma_start3A_148 = arith.constant 0 : i32
      %dma_start3A_149 = arith.constant 0 : i32
      %dma_start3A_150 = tpu.memref_slice %arg8[%dma_start3A_148, %dma_start3A_149] : memref<64x128xf32, #tpu.memory_space<vmem>> -> memref<40x128xf32, #tpu.memory_space<vmem>>
      tpu.enqueue_dma source(%dma_start3A_150 : memref<40x128xf32, #tpu.memory_space<vmem>>) target(%dma_start3A_147 : memref<40x128xf32, #tpu.memory_space<vmem_shared>>) target_semaphore(%arg15 : memref<!tpu.dma_semaphore, #tpu.memory_space<semaphore_mem>>)
      %dma_start3A_151 = arith.constant 0 : i32
      %dma_start3A_152 = arith.constant 0 : i32
      %dma_start3A_153 = tpu.memref_slice %arg8[%dma_start3A_151, %dma_start3A_152] : memref<64x128xf32, #tpu.memory_space<vmem>> -> memref<40x128xf32, #tpu.memory_space<vmem>>
      %dma_start3A_154 = arith.constant 9880 : i32
      %dma_start3A_155 = arith.constant 0 : i32
      %dma_start3A_156 = tpu.memref_slice %arg11[%dma_start3A_154, %dma_start3A_155] : memref<10000x128xf32, #tpu.memory_space<vmem_shared>> -> memref<40x128xf32, #tpu.memory_space<vmem_shared>>
      %dma_start3A_157 = arith.constant 9880 : i32
      %dma_start3A_158 = arith.constant 0 : i32
      %dma_start3A_159 = tpu.memref_slice %arg11[%dma_start3A_157, %dma_start3A_158] : memref<10000x128xf32, #tpu.memory_space<vmem_shared>> -> memref<40x128xf32, #tpu.memory_space<vmem_shared>>
      %dma_start3A_160 = arith.constant 0 : i32
      %dma_start3A_161 = arith.constant 0 : i32
      %dma_start3A_162 = tpu.memref_slice %arg8[%dma_start3A_160, %dma_start3A_161] : memref<64x128xf32, #tpu.memory_space<vmem>> -> memref<40x128xf32, #tpu.memory_space<vmem>>
      tpu.enqueue_dma source(%dma_start3A_162 : memref<40x128xf32, #tpu.memory_space<vmem>>) target(%dma_start3A_159 : memref<40x128xf32, #tpu.memory_space<vmem_shared>>) target_semaphore(%arg15 : memref<!tpu.dma_semaphore, #tpu.memory_space<semaphore_mem>>)
      %dma_start3A_163 = arith.constant 0 : i32
      %dma_start3A_164 = arith.constant 0 : i32
      %dma_start3A_165 = tpu.memref_slice %arg8[%dma_start3A_163, %dma_start3A_164] : memref<64x128xf32, #tpu.memory_space<vmem>> -> memref<40x128xf32, #tpu.memory_space<vmem>>
      %dma_start3A_166 = arith.constant 9920 : i32
      %dma_start3A_167 = arith.constant 0 : i32
      %dma_start3A_168 = tpu.memref_slice %arg11[%dma_start3A_166, %dma_start3A_167] : memref<10000x128xf32, #tpu.memory_space<vmem_shared>> -> memref<40x128xf32, #tpu.memory_space<vmem_shared>>
      %dma_start3A_169 = arith.constant 9920 : i32
      %dma_start3A_170 = arith.constant 0 : i32
      %dma_start3A_171 = tpu.memref_slice %arg11[%dma_start3A_169, %dma_start3A_170] : memref<10000x128xf32, #tpu.memory_space<vmem_shared>> -> memref<40x128xf32, #tpu.memory_space<vmem_shared>>
      %dma_start3A_172 = arith.constant 0 : i32
      %dma_start3A_173 = arith.constant 0 : i32
      %dma_start3A_174 = tpu.memref_slice %arg8[%dma_start3A_172, %dma_start3A_173] : memref<64x128xf32, #tpu.memory_space<vmem>> -> memref<40x128xf32, #tpu.memory_space<vmem>>
      tpu.enqueue_dma source(%dma_start3A_174 : memref<40x128xf32, #tpu.memory_space<vmem>>) target(%dma_start3A_171 : memref<40x128xf32, #tpu.memory_space<vmem_shared>>) target_semaphore(%arg15 : memref<!tpu.dma_semaphore, #tpu.memory_space<semaphore_mem>>)
      %dma_start3A_175 = arith.constant 0 : i32
      %dma_start3A_176 = arith.constant 0 : i32
      %dma_start3A_177 = tpu.memref_slice %arg8[%dma_start3A_175, %dma_start3A_176] : memref<64x128xf32, #tpu.memory_space<vmem>> -> memref<40x128xf32, #tpu.memory_space<vmem>>
      %dma_start3A_178 = arith.constant 9960 : i32
      %dma_start3A_179 = arith.constant 0 : i32
      %dma_start3A_180 = tpu.memref_slice %arg11[%dma_start3A_178, %dma_start3A_179] : memref<10000x128xf32, #tpu.memory_space<vmem_shared>> -> memref<40x128xf32, #tpu.memory_space<vmem_shared>>
      %dma_start3A_181 = arith.constant 9960 : i32
      %dma_start3A_182 = arith.constant 0 : i32
      %dma_start3A_183 = tpu.memref_slice %arg11[%dma_start3A_181, %dma_start3A_182] : memref<10000x128xf32, #tpu.memory_space<vmem_shared>> -> memref<40x128xf32, #tpu.memory_space<vmem_shared>>
      %dma_start3A_184 = arith.constant 0 : i32
      %dma_start3A_185 = arith.constant 0 : i32
      %dma_start3A_186 = tpu.memref_slice %arg8[%dma_start3A_184, %dma_start3A_185] : memref<64x128xf32, #tpu.memory_space<vmem>> -> memref<40x128xf32, #tpu.memory_space<vmem>>
      tpu.enqueue_dma source(%dma_start3A_186 : memref<40x128xf32, #tpu.memory_space<vmem>>) target(%dma_start3A_183 : memref<40x128xf32, #tpu.memory_space<vmem_shared>>) target_semaphore(%arg15 : memref<!tpu.dma_semaphore, #tpu.memory_space<semaphore_mem>>)
      %dma_wait3A_187 = arith.constant 0 : i32
      %dma_wait3A_188 = arith.constant 0 : i32
      %dma_wait3A_189 = tpu.memref_slice %arg8[%dma_wait3A_187, %dma_wait3A_188] : memref<64x128xf32, #tpu.memory_space<vmem>> -> memref<40x128xf32, #tpu.memory_space<vmem>>
      %dma_wait3A_190 = arith.constant 9600 : i32
      %dma_wait3A_191 = arith.constant 0 : i32
      %dma_wait3A_192 = tpu.memref_slice %arg11[%dma_wait3A_190, %dma_wait3A_191] : memref<10000x128xf32, #tpu.memory_space<vmem_shared>> -> memref<40x128xf32, #tpu.memory_space<vmem_shared>>
      %dma_wait3A_193 = arith.constant 9600 : i32
      %dma_wait3A_194 = arith.constant 0 : i32
      %dma_wait3A_195 = tpu.memref_slice %arg11[%dma_wait3A_193, %dma_wait3A_194] : memref<10000x128xf32, #tpu.memory_space<vmem_shared>> -> memref<40x128xf32, #tpu.memory_space<vmem_shared>>
      %dma_wait3A_196 = arith.constant 0 : i32
      %dma_wait3A_197 = arith.constant 0 : i32
      %dma_wait3A_198 = tpu.memref_slice %arg8[%dma_wait3A_196, %dma_wait3A_197] : memref<64x128xf32, #tpu.memory_space<vmem>> -> memref<40x128xf32, #tpu.memory_space<vmem>>
      tpu.wait_dma2 semaphore(%arg15 : memref<!tpu.dma_semaphore, #tpu.memory_space<semaphore_mem>>) src(%dma_wait3A_198 : memref<40x128xf32, #tpu.memory_space<vmem>>) dst(%dma_wait3A_195 : memref<40x128xf32, #tpu.memory_space<vmem_shared>>)
      %dma_wait3A_199 = arith.constant 0 : i32
      %dma_wait3A_200 = arith.constant 0 : i32
      %dma_wait3A_201 = tpu.memref_slice %arg8[%dma_wait3A_199, %dma_wait3A_200] : memref<64x128xf32, #tpu.memory_space<vmem>> -> memref<40x128xf32, #tpu.memory_space<vmem>>
      %dma_wait3A_202 = arith.constant 9640 : i32
      %dma_wait3A_203 = arith.constant 0 : i32
      %dma_wait3A_204 = tpu.memref_slice %arg11[%dma_wait3A_202, %dma_wait3A_203] : memref<10000x128xf32, #tpu.memory_space<vmem_shared>> -> memref<40x128xf32, #tpu.memory_space<vmem_shared>>
      %dma_wait3A_205 = arith.constant 9640 : i32
      %dma_wait3A_206 = arith.constant 0 : i32
      %dma_wait3A_207 = tpu.memref_slice %arg11[%dma_wait3A_205, %dma_wait3A_206] : memref<10000x128xf32, #tpu.memory_space<vmem_shared>> -> memref<40x128xf32, #tpu.memory_space<vmem_shared>>
      %dma_wait3A_208 = arith.constant 0 : i32
      %dma_wait3A_209 = arith.constant 0 : i32
      %dma_wait3A_210 = tpu.memref_slice %arg8[%dma_wait3A_208, %dma_wait3A_209] : memref<64x128xf32, #tpu.memory_space<vmem>> -> memref<40x128xf32, #tpu.memory_space<vmem>>
      tpu.wait_dma2 semaphore(%arg15 : memref<!tpu.dma_semaphore, #tpu.memory_space<semaphore_mem>>) src(%dma_wait3A_210 : memref<40x128xf32, #tpu.memory_space<vmem>>) dst(%dma_wait3A_207 : memref<40x128xf32, #tpu.memory_space<vmem_shared>>)
      %dma_wait3A_211 = arith.constant 0 : i32
      %dma_wait3A_212 = arith.constant 0 : i32
      %dma_wait3A_213 = tpu.memref_slice %arg8[%dma_wait3A_211, %dma_wait3A_212] : memref<64x128xf32, #tpu.memory_space<vmem>> -> memref<40x128xf32, #tpu.memory_space<vmem>>
      %dma_wait3A_214 = arith.constant 9680 : i32
      %dma_wait3A_215 = arith.constant 0 : i32
      %dma_wait3A_216 = tpu.memref_slice %arg11[%dma_wait3A_214, %dma_wait3A_215] : memref<10000x128xf32, #tpu.memory_space<vmem_shared>> -> memref<40x128xf32, #tpu.memory_space<vmem_shared>>
      %dma_wait3A_217 = arith.constant 9680 : i32
      %dma_wait3A_218 = arith.constant 0 : i32
      %dma_wait3A_219 = tpu.memref_slice %arg11[%dma_wait3A_217, %dma_wait3A_218] : memref<10000x128xf32, #tpu.memory_space<vmem_shared>> -> memref<40x128xf32, #tpu.memory_space<vmem_shared>>
      %dma_wait3A_220 = arith.constant 0 : i32
      %dma_wait3A_221 = arith.constant 0 : i32
      %dma_wait3A_222 = tpu.memref_slice %arg8[%dma_wait3A_220, %dma_wait3A_221] : memref<64x128xf32, #tpu.memory_space<vmem>> -> memref<40x128xf32, #tpu.memory_space<vmem>>
      tpu.wait_dma2 semaphore(%arg15 : memref<!tpu.dma_semaphore, #tpu.memory_space<semaphore_mem>>) src(%dma_wait3A_222 : memref<40x128xf32, #tpu.memory_space<vmem>>) dst(%dma_wait3A_219 : memref<40x128xf32, #tpu.memory_space<vmem_shared>>)
      %dma_wait3A_223 = arith.constant 0 : i32
      %dma_wait3A_224 = arith.constant 0 : i32
      %dma_wait3A_225 = tpu.memref_slice %arg8[%dma_wait3A_223, %dma_wait3A_224] : memref<64x128xf32, #tpu.memory_space<vmem>> -> memref<40x128xf32, #tpu.memory_space<vmem>>
      %dma_wait3A_226 = arith.constant 9720 : i32
      %dma_wait3A_227 = arith.constant 0 : i32
      %dma_wait3A_228 = tpu.memref_slice %arg11[%dma_wait3A_226, %dma_wait3A_227] : memref<10000x128xf32, #tpu.memory_space<vmem_shared>> -> memref<40x128xf32, #tpu.memory_space<vmem_shared>>
      %dma_wait3A_229 = arith.constant 9720 : i32
      %dma_wait3A_230 = arith.constant 0 : i32
      %dma_wait3A_231 = tpu.memref_slice %arg11[%dma_wait3A_229, %dma_wait3A_230] : memref<10000x128xf32, #tpu.memory_space<vmem_shared>> -> memref<40x128xf32, #tpu.memory_space<vmem_shared>>
      %dma_wait3A_232 = arith.constant 0 : i32
      %dma_wait3A_233 = arith.constant 0 : i32
      %dma_wait3A_234 = tpu.memref_slice %arg8[%dma_wait3A_232, %dma_wait3A_233] : memref<64x128xf32, #tpu.memory_space<vmem>> -> memref<40x128xf32, #tpu.memory_space<vmem>>
      tpu.wait_dma2 semaphore(%arg15 : memref<!tpu.dma_semaphore, #tpu.memory_space<semaphore_mem>>) src(%dma_wait3A_234 : memref<40x128xf32, #tpu.memory_space<vmem>>) dst(%dma_wait3A_231 : memref<40x128xf32, #tpu.memory_space<vmem_shared>>)
      %dma_wait3A_235 = arith.constant 0 : i32
      %dma_wait3A_236 = arith.constant 0 : i32
      %dma_wait3A_237 = tpu.memref_slice %arg8[%dma_wait3A_235, %dma_wait3A_236] : memref<64x128xf32, #tpu.memory_space<vmem>> -> memref<40x128xf32, #tpu.memory_space<vmem>>
      %dma_wait3A_238 = arith.constant 9760 : i32
      %dma_wait3A_239 = arith.constant 0 : i32
      %dma_wait3A_240 = tpu.memref_slice %arg11[%dma_wait3A_238, %dma_wait3A_239] : memref<10000x128xf32, #tpu.memory_space<vmem_shared>> -> memref<40x128xf32, #tpu.memory_space<vmem_shared>>
      %dma_wait3A_241 = arith.constant 9760 : i32
      %dma_wait3A_242 = arith.constant 0 : i32
      %dma_wait3A_243 = tpu.memref_slice %arg11[%dma_wait3A_241, %dma_wait3A_242] : memref<10000x128xf32, #tpu.memory_space<vmem_shared>> -> memref<40x128xf32, #tpu.memory_space<vmem_shared>>
      %dma_wait3A_244 = arith.constant 0 : i32
      %dma_wait3A_245 = arith.constant 0 : i32
      %dma_wait3A_246 = tpu.memref_slice %arg8[%dma_wait3A_244, %dma_wait3A_245] : memref<64x128xf32, #tpu.memory_space<vmem>> -> memref<40x128xf32, #tpu.memory_space<vmem>>
      tpu.wait_dma2 semaphore(%arg15 : memref<!tpu.dma_semaphore, #tpu.memory_space<semaphore_mem>>) src(%dma_wait3A_246 : memref<40x128xf32, #tpu.memory_space<vmem>>) dst(%dma_wait3A_243 : memref<40x128xf32, #tpu.memory_space<vmem_shared>>)
      %dma_wait3A_247 = arith.constant 0 : i32
      %dma_wait3A_248 = arith.constant 0 : i32
      %dma_wait3A_249 = tpu.memref_slice %arg8[%dma_wait3A_247, %dma_wait3A_248] : memref<64x128xf32, #tpu.memory_space<vmem>> -> memref<40x128xf32, #tpu.memory_space<vmem>>
      %dma_wait3A_250 = arith.constant 9800 : i32
      %dma_wait3A_251 = arith.constant 0 : i32
      %dma_wait3A_252 = tpu.memref_slice %arg11[%dma_wait3A_250, %dma_wait3A_251] : memref<10000x128xf32, #tpu.memory_space<vmem_shared>> -> memref<40x128xf32, #tpu.memory_space<vmem_shared>>
      %dma_wait3A_253 = arith.constant 9800 : i32
      %dma_wait3A_254 = arith.constant 0 : i32
      %dma_wait3A_255 = tpu.memref_slice %arg11[%dma_wait3A_253, %dma_wait3A_254] : memref<10000x128xf32, #tpu.memory_space<vmem_shared>> -> memref<40x128xf32, #tpu.memory_space<vmem_shared>>
      %dma_wait3A_256 = arith.constant 0 : i32
      %dma_wait3A_257 = arith.constant 0 : i32
      %dma_wait3A_258 = tpu.memref_slice %arg8[%dma_wait3A_256, %dma_wait3A_257] : memref<64x128xf32, #tpu.memory_space<vmem>> -> memref<40x128xf32, #tpu.memory_space<vmem>>
      tpu.wait_dma2 semaphore(%arg15 : memref<!tpu.dma_semaphore, #tpu.memory_space<semaphore_mem>>) src(%dma_wait3A_258 : memref<40x128xf32, #tpu.memory_space<vmem>>) dst(%dma_wait3A_255 : memref<40x128xf32, #tpu.memory_space<vmem_shared>>)
      %dma_wait3A_259 = arith.constant 0 : i32
      %dma_wait3A_260 = arith.constant 0 : i32
      %dma_wait3A_261 = tpu.memref_slice %arg8[%dma_wait3A_259, %dma_wait3A_260] : memref<64x128xf32, #tpu.memory_space<vmem>> -> memref<40x128xf32, #tpu.memory_space<vmem>>
      %dma_wait3A_262 = arith.constant 9840 : i32
      %dma_wait3A_263 = arith.constant 0 : i32
      %dma_wait3A_264 = tpu.memref_slice %arg11[%dma_wait3A_262, %dma_wait3A_263] : memref<10000x128xf32, #tpu.memory_space<vmem_shared>> -> memref<40x128xf32, #tpu.memory_space<vmem_shared>>
      %dma_wait3A_265 = arith.constant 9840 : i32
      %dma_wait3A_266 = arith.constant 0 : i32
      %dma_wait3A_267 = tpu.memref_slice %arg11[%dma_wait3A_265, %dma_wait3A_266] : memref<10000x128xf32, #tpu.memory_space<vmem_shared>> -> memref<40x128xf32, #tpu.memory_space<vmem_shared>>
      %dma_wait3A_268 = arith.constant 0 : i32
      %dma_wait3A_269 = arith.constant 0 : i32
      %dma_wait3A_270 = tpu.memref_slice %arg8[%dma_wait3A_268, %dma_wait3A_269] : memref<64x128xf32, #tpu.memory_space<vmem>> -> memref<40x128xf32, #tpu.memory_space<vmem>>
      tpu.wait_dma2 semaphore(%arg15 : memref<!tpu.dma_semaphore, #tpu.memory_space<semaphore_mem>>) src(%dma_wait3A_270 : memref<40x128xf32, #tpu.memory_space<vmem>>) dst(%dma_wait3A_267 : memref<40x128xf32, #tpu.memory_space<vmem_shared>>)
      %dma_wait3A_271 = arith.constant 0 : i32
      %dma_wait3A_272 = arith.constant 0 : i32
      %dma_wait3A_273 = tpu.memref_slice %arg8[%dma_wait3A_271, %dma_wait3A_272] : memref<64x128xf32, #tpu.memory_space<vmem>> -> memref<40x128xf32, #tpu.memory_space<vmem>>
      %dma_wait3A_274 = arith.constant 9880 : i32
      %dma_wait3A_275 = arith.constant 0 : i32
      %dma_wait3A_276 = tpu.memref_slice %arg11[%dma_wait3A_274, %dma_wait3A_275] : memref<10000x128xf32, #tpu.memory_space<vmem_shared>> -> memref<40x128xf32, #tpu.memory_space<vmem_shared>>
      %dma_wait3A_277 = arith.constant 9880 : i32
      %dma_wait3A_278 = arith.constant 0 : i32
      %dma_wait3A_279 = tpu.memref_slice %arg11[%dma_wait3A_277, %dma_wait3A_278] : memref<10000x128xf32, #tpu.memory_space<vmem_shared>> -> memref<40x128xf32, #tpu.memory_space<vmem_shared>>
      %dma_wait3A_280 = arith.constant 0 : i32
      %dma_wait3A_281 = arith.constant 0 : i32
      %dma_wait3A_282 = tpu.memref_slice %arg8[%dma_wait3A_280, %dma_wait3A_281] : memref<64x128xf32, #tpu.memory_space<vmem>> -> memref<40x128xf32, #tpu.memory_space<vmem>>
      tpu.wait_dma2 semaphore(%arg15 : memref<!tpu.dma_semaphore, #tpu.memory_space<semaphore_mem>>) src(%dma_wait3A_282 : memref<40x128xf32, #tpu.memory_space<vmem>>) dst(%dma_wait3A_279 : memref<40x128xf32, #tpu.memory_space<vmem_shared>>)
      %dma_wait3A_283 = arith.constant 0 : i32
      %dma_wait3A_284 = arith.constant 0 : i32
      %dma_wait3A_285 = tpu.memref_slice %arg8[%dma_wait3A_283, %dma_wait3A_284] : memref<64x128xf32, #tpu.memory_space<vmem>> -> memref<40x128xf32, #tpu.memory_space<vmem>>
      %dma_wait3A_286 = arith.constant 9920 : i32
      %dma_wait3A_287 = arith.constant 0 : i32
      %dma_wait3A_288 = tpu.memref_slice %arg11[%dma_wait3A_286, %dma_wait3A_287] : memref<10000x128xf32, #tpu.memory_space<vmem_shared>> -> memref<40x128xf32, #tpu.memory_space<vmem_shared>>
      %dma_wait3A_289 = arith.constant 9920 : i32
      %dma_wait3A_290 = arith.constant 0 : i32
      %dma_wait3A_291 = tpu.memref_slice %arg11[%dma_wait3A_289, %dma_wait3A_290] : memref<10000x128xf32, #tpu.memory_space<vmem_shared>> -> memref<40x128xf32, #tpu.memory_space<vmem_shared>>
      %dma_wait3A_292 = arith.constant 0 : i32
      %dma_wait3A_293 = arith.constant 0 : i32
      %dma_wait3A_294 = tpu.memref_slice %arg8[%dma_wait3A_292, %dma_wait3A_293] : memref<64x128xf32, #tpu.memory_space<vmem>> -> memref<40x128xf32, #tpu.memory_space<vmem>>
      tpu.wait_dma2 semaphore(%arg15 : memref<!tpu.dma_semaphore, #tpu.memory_space<semaphore_mem>>) src(%dma_wait3A_294 : memref<40x128xf32, #tpu.memory_space<vmem>>) dst(%dma_wait3A_291 : memref<40x128xf32, #tpu.memory_space<vmem_shared>>)
      %dma_wait3A_295 = arith.constant 0 : i32
      %dma_wait3A_296 = arith.constant 0 : i32
      %dma_wait3A_297 = tpu.memref_slice %arg8[%dma_wait3A_295, %dma_wait3A_296] : memref<64x128xf32, #tpu.memory_space<vmem>> -> memref<40x128xf32, #tpu.memory_space<vmem>>
      %dma_wait3A_298 = arith.constant 9960 : i32
      %dma_wait3A_299 = arith.constant 0 : i32
      %dma_wait3A_300 = tpu.memref_slice %arg11[%dma_wait3A_298, %dma_wait3A_299] : memref<10000x128xf32, #tpu.memory_space<vmem_shared>> -> memref<40x128xf32, #tpu.memory_space<vmem_shared>>
      %dma_wait3A_301 = arith.constant 9960 : i32
      %dma_wait3A_302 = arith.constant 0 : i32
      %dma_wait3A_303 = tpu.memref_slice %arg11[%dma_wait3A_301, %dma_wait3A_302] : memref<10000x128xf32, #tpu.memory_space<vmem_shared>> -> memref<40x128xf32, #tpu.memory_space<vmem_shared>>
      %dma_wait3A_304 = arith.constant 0 : i32
      %dma_wait3A_305 = arith.constant 0 : i32
      %dma_wait3A_306 = tpu.memref_slice %arg8[%dma_wait3A_304, %dma_wait3A_305] : memref<64x128xf32, #tpu.memory_space<vmem>> -> memref<40x128xf32, #tpu.memory_space<vmem>>
      tpu.wait_dma2 semaphore(%arg15 : memref<!tpu.dma_semaphore, #tpu.memory_space<semaphore_mem>>) src(%dma_wait3A_306 : memref<40x128xf32, #tpu.memory_space<vmem>>) dst(%dma_wait3A_303 : memref<40x128xf32, #tpu.memory_space<vmem_shared>>)
    } else {
    }
    %dma_wait3A = arith.constant 0 : i32
    %dma_wait3A_22 = tpu.memref_slice %arg2[%dma_wait3A, %multiple_of3A] : memref<2x320000xi32, #tpu.memory_space<hbm>> -> memref<1x9984xi32, #tpu.memory_space<hbm>>
    %dma_wait3A_23 = tpu.memref_squeeze %dma_wait3A_22 : memref<1x9984xi32, #tpu.memory_space<hbm>> -> memref<9984xi32, #tpu.memory_space<hbm>>
    %dma_wait3A_24 = tpu.memref_slice %arg2[%dma_wait3A, %multiple_of3A] : memref<2x320000xi32, #tpu.memory_space<hbm>> -> memref<1x9984xi32, #tpu.memory_space<hbm>>
    %dma_wait3A_25 = tpu.memref_squeeze %dma_wait3A_24 : memref<1x9984xi32, #tpu.memory_space<hbm>> -> memref<9984xi32, #tpu.memory_space<hbm>>
    tpu.wait_dma2 semaphore(%arg12 : memref<!tpu.dma_semaphore, #tpu.memory_space<semaphore_mem>>) src(%dma_wait3A_25 : memref<9984xi32, #tpu.memory_space<hbm>>) dst(%arg6 : memref<9984xi32, #tpu.memory_space<vmem>>)
    %dma_wait3A_26 = arith.constant 1 : i32
    %dma_wait3A_27 = tpu.memref_slice %arg2[%dma_wait3A_26, %multiple_of3A] : memref<2x320000xi32, #tpu.memory_space<hbm>> -> memref<1x9984xi32, #tpu.memory_space<hbm>>
    %dma_wait3A_28 = tpu.memref_squeeze %dma_wait3A_27 : memref<1x9984xi32, #tpu.memory_space<hbm>> -> memref<9984xi32, #tpu.memory_space<hbm>>
    %dma_wait3A_29 = tpu.memref_slice %arg2[%dma_wait3A_26, %multiple_of3A] : memref<2x320000xi32, #tpu.memory_space<hbm>> -> memref<1x9984xi32, #tpu.memory_space<hbm>>
    %dma_wait3A_30 = tpu.memref_squeeze %dma_wait3A_29 : memref<1x9984xi32, #tpu.memory_space<hbm>> -> memref<9984xi32, #tpu.memory_space<hbm>>
    tpu.wait_dma2 semaphore(%arg13 : memref<!tpu.dma_semaphore, #tpu.memory_space<semaphore_mem>>) src(%dma_wait3A_30 : memref<9984xi32, #tpu.memory_space<hbm>>) dst(%arg7 : memref<9984xi32, #tpu.memory_space<vmem>>)
    %dma_start3A_31 = arith.constant 0 : i32
    %dma_start3A_32 = tpu.memref_slice %arg6[%dma_start3A_31] : memref<9984xi32, #tpu.memory_space<vmem>> -> memref<64xi32, #tpu.memory_space<vmem>>
    %dma_start3A_33 = arith.constant 0 : i32
    %dma_start3A_34 = arith.constant 0 : i32
    %dma_start3A_35 = tpu.memref_slice %arg3[%dma_start3A_33, %dma_start3A_34] : memref<10000x128xf32, #tpu.memory_space<hbm>> -> memref<10000x128xf32, #tpu.memory_space<hbm>>
    tpu.enqueue_indirect_dma source(%dma_start3A_35 : memref<10000x128xf32, #tpu.memory_space<hbm>>) target(%arg8 : memref<64x128xf32, #tpu.memory_space<vmem>>) offsets(%dma_start3A_32 : memref<64xi32, #tpu.memory_space<vmem>>) semaphore(%arg12 : memref<!tpu.dma_semaphore, #tpu.memory_space<semaphore_mem>>)
    %dma_start3A_36 = arith.constant 64 : i32
    %dma_start3A_37 = tpu.memref_slice %arg6[%dma_start3A_36] : memref<9984xi32, #tpu.memory_space<vmem>> -> memref<64xi32, #tpu.memory_space<vmem>>
    %dma_start3A_38 = arith.constant 0 : i32
    %dma_start3A_39 = arith.constant 0 : i32
    %dma_start3A_40 = tpu.memref_slice %arg3[%dma_start3A_38, %dma_start3A_39] : memref<10000x128xf32, #tpu.memory_space<hbm>> -> memref<10000x128xf32, #tpu.memory_space<hbm>>
    tpu.enqueue_indirect_dma source(%dma_start3A_40 : memref<10000x128xf32, #tpu.memory_space<hbm>>) target(%arg9 : memref<64x128xf32, #tpu.memory_space<vmem>>) offsets(%dma_start3A_37 : memref<64xi32, #tpu.memory_space<vmem>>) semaphore(%arg13 : memref<!tpu.dma_semaphore, #tpu.memory_space<semaphore_mem>>)
    %dma_start3A_41 = arith.constant 128 : i32
    %dma_start3A_42 = tpu.memref_slice %arg6[%dma_start3A_41] : memref<9984xi32, #tpu.memory_space<vmem>> -> memref<64xi32, #tpu.memory_space<vmem>>
    %dma_start3A_43 = arith.constant 0 : i32
    %dma_start3A_44 = arith.constant 0 : i32
    %dma_start3A_45 = tpu.memref_slice %arg3[%dma_start3A_43, %dma_start3A_44] : memref<10000x128xf32, #tpu.memory_space<hbm>> -> memref<10000x128xf32, #tpu.memory_space<hbm>>
    tpu.enqueue_indirect_dma source(%dma_start3A_45 : memref<10000x128xf32, #tpu.memory_space<hbm>>) target(%arg10 : memref<64x128xf32, #tpu.memory_space<vmem>>) offsets(%dma_start3A_42 : memref<64xi32, #tpu.memory_space<vmem>>) semaphore(%arg14 : memref<!tpu.dma_semaphore, #tpu.memory_space<semaphore_mem>>)
    %barrier3A = arith.constant 0 : index
    tpu.barrier barrier_id(%barrier3A)
    %scan3A = arith.constant 0 : i32
    %scan3A_46 = arith.constant 0 : i32
    %scan3A_47 = arith.constant 52 : i32
    %scan3A_48 = arith.addi %scan3A_46, %scan3A_47 : i32
    %scan3A_49 = arith.constant 1 : i32
    scf.for %scan3A_67 = %scan3A_46 to %scan3A_48 step %scan3A_49  : i32 {
      %mul3A_68 = arith.constant 3 : i32
      %mul3A_69 = arith.muli %mul3A_68, %scan3A_67 : i32
      %dma_wait3A_70 = arith.constant 0 : i32
      %dma_wait3A_71 = tpu.memref_slice %arg6[%dma_wait3A_70] : memref<9984xi32, #tpu.memory_space<vmem>> -> memref<64xi32, #tpu.memory_space<vmem>>
      %dma_wait3A_72 = arith.constant 0 : i32
      %dma_wait3A_73 = arith.constant 0 : i32
      %dma_wait3A_74 = tpu.memref_slice %arg3[%dma_wait3A_72, %dma_wait3A_73] : memref<10000x128xf32, #tpu.memory_space<hbm>> -> memref<10000x128xf32, #tpu.memory_space<hbm>>
      tpu.wait_indirect_dma semaphore(%arg12 : memref<!tpu.dma_semaphore, #tpu.memory_space<semaphore_mem>>) src(%dma_wait3A_74 : memref<10000x128xf32, #tpu.memory_space<hbm>>) dst(%arg8 : memref<64x128xf32, #tpu.memory_space<vmem>>)
      %add3A_75 = arith.constant 0 : i32
      %add3A_76 = arith.addi %mul3A_69, %add3A_75 : i32
      %mul3A_77 = arith.constant 64 : i32
      %mul3A_78 = arith.muli %add3A_76, %mul3A_77 : i32
      "tpu.region"() ({
        %run_scoped3A = tpu.sem_alloc : memref<!tpu.dma_semaphore, #tpu.memory_space<semaphore_mem>>
        %dma_start3A_124 = tpu.memref_slice %arg7[%mul3A_78] : memref<9984xi32, #tpu.memory_space<vmem>> -> memref<64xi32, #tpu.memory_space<vmem>>
        %dma_start3A_125 = arith.constant 0 : i32
        %dma_start3A_126 = arith.constant 0 : i32
        %dma_start3A_127 = tpu.memref_slice %arg11[%dma_start3A_125, %dma_start3A_126] : memref<10000x128xf32, #tpu.memory_space<vmem_shared>> -> memref<10000x128xf32, #tpu.memory_space<vmem_shared>>
        tpu.enqueue_indirect_dma source(%arg8 : memref<64x128xf32, #tpu.memory_space<vmem>>) target(%dma_start3A_127 : memref<10000x128xf32, #tpu.memory_space<vmem_shared>>) offsets(%dma_start3A_124 : memref<64xi32, #tpu.memory_space<vmem>>) semaphore(%run_scoped3A : memref<!tpu.dma_semaphore, #tpu.memory_space<semaphore_mem>>) {add = true}
        %dma_wait3A_128 = tpu.memref_slice %arg7[%mul3A_78] : memref<9984xi32, #tpu.memory_space<vmem>> -> memref<64xi32, #tpu.memory_space<vmem>>
        %dma_wait3A_129 = arith.constant 0 : i32
        %dma_wait3A_130 = arith.constant 0 : i32
        %dma_wait3A_131 = tpu.memref_slice %arg11[%dma_wait3A_129, %dma_wait3A_130] : memref<10000x128xf32, #tpu.memory_space<vmem_shared>> -> memref<10000x128xf32, #tpu.memory_space<vmem_shared>>
        tpu.wait_indirect_dma semaphore(%run_scoped3A : memref<!tpu.dma_semaphore, #tpu.memory_space<semaphore_mem>>) src(%arg8 : memref<64x128xf32, #tpu.memory_space<vmem>>) dst(%dma_wait3A_131 : memref<10000x128xf32, #tpu.memory_space<vmem_shared>>)
        tpu.yield
      }) : () -> ()
      %add3A_79 = arith.constant 0 : i32
      %add3A_80 = arith.addi %mul3A_69, %add3A_79 : i32
      %add3A_81 = arith.constant 3 : i32
      %add3A_82 = arith.addi %add3A_80, %add3A_81 : i32
      %lt3A_83 = arith.constant 156 : i32
      %lt3A_84 = arith.cmpi slt, %add3A_82, %lt3A_83 : i32
      %convert_element_type3A_85 = arith.extui %lt3A_84 : i1 to i32
      %cond3A_86 = arith.constant 0 : i32
      %cond3A_87 = arith.cmpi ne, %convert_element_type3A_85, %cond3A_86 : i32
      scf.if %cond3A_87 {
        %add3A_124 = arith.constant 0 : i32
        %add3A_125 = arith.addi %mul3A_69, %add3A_124 : i32
        %add3A_126 = arith.constant 3 : i32
        %add3A_127 = arith.addi %add3A_125, %add3A_126 : i32
        %mul3A_128 = arith.constant 64 : i32
        %mul3A_129 = arith.muli %add3A_127, %mul3A_128 : i32
        %dma_start3A_130 = tpu.memref_slice %arg6[%mul3A_129] : memref<9984xi32, #tpu.memory_space<vmem>> -> memref<64xi32, #tpu.memory_space<vmem>>
        %dma_start3A_131 = arith.constant 0 : i32
        %dma_start3A_132 = arith.constant 0 : i32
        %dma_start3A_133 = tpu.memref_slice %arg3[%dma_start3A_131, %dma_start3A_132] : memref<10000x128xf32, #tpu.memory_space<hbm>> -> memref<10000x128xf32, #tpu.memory_space<hbm>>
        tpu.enqueue_indirect_dma source(%dma_start3A_133 : memref<10000x128xf32, #tpu.memory_space<hbm>>) target(%arg8 : memref<64x128xf32, #tpu.memory_space<vmem>>) offsets(%dma_start3A_130 : memref<64xi32, #tpu.memory_space<vmem>>) semaphore(%arg12 : memref<!tpu.dma_semaphore, #tpu.memory_space<semaphore_mem>>)
      } else {
      }
      %dma_wait3A_88 = arith.constant 0 : i32
      %dma_wait3A_89 = tpu.memref_slice %arg6[%dma_wait3A_88] : memref<9984xi32, #tpu.memory_space<vmem>> -> memref<64xi32, #tpu.memory_space<vmem>>
      %dma_wait3A_90 = arith.constant 0 : i32
      %dma_wait3A_91 = arith.constant 0 : i32
      %dma_wait3A_92 = tpu.memref_slice %arg3[%dma_wait3A_90, %dma_wait3A_91] : memref<10000x128xf32, #tpu.memory_space<hbm>> -> memref<10000x128xf32, #tpu.memory_space<hbm>>
      tpu.wait_indirect_dma semaphore(%arg13 : memref<!tpu.dma_semaphore, #tpu.memory_space<semaphore_mem>>) src(%dma_wait3A_92 : memref<10000x128xf32, #tpu.memory_space<hbm>>) dst(%arg9 : memref<64x128xf32, #tpu.memory_space<vmem>>)
      %add3A_93 = arith.constant 1 : i32
      %add3A_94 = arith.addi %mul3A_69, %add3A_93 : i32
      %mul3A_95 = arith.constant 64 : i32
      %mul3A_96 = arith.muli %add3A_94, %mul3A_95 : i32
      "tpu.region"() ({
        %run_scoped3A = tpu.sem_alloc : memref<!tpu.dma_semaphore, #tpu.memory_space<semaphore_mem>>
        %dma_start3A_124 = tpu.memref_slice %arg7[%mul3A_96] : memref<9984xi32, #tpu.memory_space<vmem>> -> memref<64xi32, #tpu.memory_space<vmem>>
        %dma_start3A_125 = arith.constant 0 : i32
        %dma_start3A_126 = arith.constant 0 : i32
        %dma_start3A_127 = tpu.memref_slice %arg11[%dma_start3A_125, %dma_start3A_126] : memref<10000x128xf32, #tpu.memory_space<vmem_shared>> -> memref<10000x128xf32, #tpu.memory_space<vmem_shared>>
        tpu.enqueue_indirect_dma source(%arg9 : memref<64x128xf32, #tpu.memory_space<vmem>>) target(%dma_start3A_127 : memref<10000x128xf32, #tpu.memory_space<vmem_shared>>) offsets(%dma_start3A_124 : memref<64xi32, #tpu.memory_space<vmem>>) semaphore(%run_scoped3A : memref<!tpu.dma_semaphore, #tpu.memory_space<semaphore_mem>>) {add = true}
        %dma_wait3A_128 = tpu.memref_slice %arg7[%mul3A_96] : memref<9984xi32, #tpu.memory_space<vmem>> -> memref<64xi32, #tpu.memory_space<vmem>>
        %dma_wait3A_129 = arith.constant 0 : i32
        %dma_wait3A_130 = arith.constant 0 : i32
        %dma_wait3A_131 = tpu.memref_slice %arg11[%dma_wait3A_129, %dma_wait3A_130] : memref<10000x128xf32, #tpu.memory_space<vmem_shared>> -> memref<10000x128xf32, #tpu.memory_space<vmem_shared>>
        tpu.wait_indirect_dma semaphore(%run_scoped3A : memref<!tpu.dma_semaphore, #tpu.memory_space<semaphore_mem>>) src(%arg9 : memref<64x128xf32, #tpu.memory_space<vmem>>) dst(%dma_wait3A_131 : memref<10000x128xf32, #tpu.memory_space<vmem_shared>>)
        tpu.yield
      }) : () -> ()
      %add3A_97 = arith.constant 1 : i32
      %add3A_98 = arith.addi %mul3A_69, %add3A_97 : i32
      %add3A_99 = arith.constant 3 : i32
      %add3A_100 = arith.addi %add3A_98, %add3A_99 : i32
      %lt3A_101 = arith.constant 156 : i32
      %lt3A_102 = arith.cmpi slt, %add3A_100, %lt3A_101 : i32
      %convert_element_type3A_103 = arith.extui %lt3A_102 : i1 to i32
      %cond3A_104 = arith.constant 0 : i32
      %cond3A_105 = arith.cmpi ne, %convert_element_type3A_103, %cond3A_104 : i32
      scf.if %cond3A_105 {
        %add3A_124 = arith.constant 1 : i32
        %add3A_125 = arith.addi %mul3A_69, %add3A_124 : i32
        %add3A_126 = arith.constant 3 : i32
        %add3A_127 = arith.addi %add3A_125, %add3A_126 : i32
        %mul3A_128 = arith.constant 64 : i32
        %mul3A_129 = arith.muli %add3A_127, %mul3A_128 : i32
        %dma_start3A_130 = tpu.memref_slice %arg6[%mul3A_129] : memref<9984xi32, #tpu.memory_space<vmem>> -> memref<64xi32, #tpu.memory_space<vmem>>
        %dma_start3A_131 = arith.constant 0 : i32
        %dma_start3A_132 = arith.constant 0 : i32
        %dma_start3A_133 = tpu.memref_slice %arg3[%dma_start3A_131, %dma_start3A_132] : memref<10000x128xf32, #tpu.memory_space<hbm>> -> memref<10000x128xf32, #tpu.memory_space<hbm>>
        tpu.enqueue_indirect_dma source(%dma_start3A_133 : memref<10000x128xf32, #tpu.memory_space<hbm>>) target(%arg9 : memref<64x128xf32, #tpu.memory_space<vmem>>) offsets(%dma_start3A_130 : memref<64xi32, #tpu.memory_space<vmem>>) semaphore(%arg13 : memref<!tpu.dma_semaphore, #tpu.memory_space<semaphore_mem>>)
      } else {
      }
      %dma_wait3A_106 = arith.constant 0 : i32
      %dma_wait3A_107 = tpu.memref_slice %arg6[%dma_wait3A_106] : memref<9984xi32, #tpu.memory_space<vmem>> -> memref<64xi32, #tpu.memory_space<vmem>>
      %dma_wait3A_108 = arith.constant 0 : i32
      %dma_wait3A_109 = arith.constant 0 : i32
      %dma_wait3A_110 = tpu.memref_slice %arg3[%dma_wait3A_108, %dma_wait3A_109] : memref<10000x128xf32, #tpu.memory_space<hbm>> -> memref<10000x128xf32, #tpu.memory_space<hbm>>
      tpu.wait_indirect_dma semaphore(%arg14 : memref<!tpu.dma_semaphore, #tpu.memory_space<semaphore_mem>>) src(%dma_wait3A_110 : memref<10000x128xf32, #tpu.memory_space<hbm>>) dst(%arg10 : memref<64x128xf32, #tpu.memory_space<vmem>>)
      %add3A_111 = arith.constant 2 : i32
      %add3A_112 = arith.addi %mul3A_69, %add3A_111 : i32
      %mul3A_113 = arith.constant 64 : i32
      %mul3A_114 = arith.muli %add3A_112, %mul3A_113 : i32
      "tpu.region"() ({
        %run_scoped3A = tpu.sem_alloc : memref<!tpu.dma_semaphore, #tpu.memory_space<semaphore_mem>>
        %dma_start3A_124 = tpu.memref_slice %arg7[%mul3A_114] : memref<9984xi32, #tpu.memory_space<vmem>> -> memref<64xi32, #tpu.memory_space<vmem>>
        %dma_start3A_125 = arith.constant 0 : i32
        %dma_start3A_126 = arith.constant 0 : i32
        %dma_start3A_127 = tpu.memref_slice %arg11[%dma_start3A_125, %dma_start3A_126] : memref<10000x128xf32, #tpu.memory_space<vmem_shared>> -> memref<10000x128xf32, #tpu.memory_space<vmem_shared>>
        tpu.enqueue_indirect_dma source(%arg10 : memref<64x128xf32, #tpu.memory_space<vmem>>) target(%dma_start3A_127 : memref<10000x128xf32, #tpu.memory_space<vmem_shared>>) offsets(%dma_start3A_124 : memref<64xi32, #tpu.memory_space<vmem>>) semaphore(%run_scoped3A : memref<!tpu.dma_semaphore, #tpu.memory_space<semaphore_mem>>) {add = true}
        %dma_wait3A_128 = tpu.memref_slice %arg7[%mul3A_114] : memref<9984xi32, #tpu.memory_space<vmem>> -> memref<64xi32, #tpu.memory_space<vmem>>
        %dma_wait3A_129 = arith.constant 0 : i32
        %dma_wait3A_130 = arith.constant 0 : i32
        %dma_wait3A_131 = tpu.memref_slice %arg11[%dma_wait3A_129, %dma_wait3A_130] : memref<10000x128xf32, #tpu.memory_space<vmem_shared>> -> memref<10000x128xf32, #tpu.memory_space<vmem_shared>>
        tpu.wait_indirect_dma semaphore(%run_scoped3A : memref<!tpu.dma_semaphore, #tpu.memory_space<semaphore_mem>>) src(%arg10 : memref<64x128xf32, #tpu.memory_space<vmem>>) dst(%dma_wait3A_131 : memref<10000x128xf32, #tpu.memory_space<vmem_shared>>)
        tpu.yield
      }) : () -> ()
      %add3A_115 = arith.constant 2 : i32
      %add3A_116 = arith.addi %mul3A_69, %add3A_115 : i32
      %add3A_117 = arith.constant 3 : i32
      %add3A_118 = arith.addi %add3A_116, %add3A_117 : i32
      %lt3A_119 = arith.constant 156 : i32
      %lt3A_120 = arith.cmpi slt, %add3A_118, %lt3A_119 : i32
      %convert_element_type3A_121 = arith.extui %lt3A_120 : i1 to i32
      %cond3A_122 = arith.constant 0 : i32
      %cond3A_123 = arith.cmpi ne, %convert_element_type3A_121, %cond3A_122 : i32
      scf.if %cond3A_123 {
        %add3A_124 = arith.constant 2 : i32
        %add3A_125 = arith.addi %mul3A_69, %add3A_124 : i32
        %add3A_126 = arith.constant 3 : i32
        %add3A_127 = arith.addi %add3A_125, %add3A_126 : i32
        %mul3A_128 = arith.constant 64 : i32
        %mul3A_129 = arith.muli %add3A_127, %mul3A_128 : i32
        %dma_start3A_130 = tpu.memref_slice %arg6[%mul3A_129] : memref<9984xi32, #tpu.memory_space<vmem>> -> memref<64xi32, #tpu.memory_space<vmem>>
        %dma_start3A_131 = arith.constant 0 : i32
        %dma_start3A_132 = arith.constant 0 : i32
        %dma_start3A_133 = tpu.memref_slice %arg3[%dma_start3A_131, %dma_start3A_132] : memref<10000x128xf32, #tpu.memory_space<hbm>> -> memref<10000x128xf32, #tpu.memory_space<hbm>>
        tpu.enqueue_indirect_dma source(%dma_start3A_133 : memref<10000x128xf32, #tpu.memory_space<hbm>>) target(%arg10 : memref<64x128xf32, #tpu.memory_space<vmem>>) offsets(%dma_start3A_130 : memref<64xi32, #tpu.memory_space<vmem>>) semaphore(%arg14 : memref<!tpu.dma_semaphore, #tpu.memory_space<semaphore_mem>>)
      } else {
      }
    }
    %scan3A_50 = arith.constant 52 : i32
    %lt3A_51 = arith.constant 4 : i32
    %lt3A_52 = arith.cmpi slt, %add3A, %lt3A_51 : i32
    %convert_element_type3A_53 = arith.extui %lt3A_52 : i1 to i32
    %cond3A_54 = arith.constant 0 : i32
    %cond3A_55 = arith.cmpi ne, %convert_element_type3A_53, %cond3A_54 : i32
    scf.if %cond3A_55 {
      %add3A_67 = arith.constant 9984 : i32
      %add3A_68 = arith.addi %multiple_of3A, %add3A_67 : i32
      %multiple_of3A_69 = tpu.assume_multiple %add3A_68, 128 : i32
      %run_scoped3A = arith.constant 0 : i32
      "tpu.region"() ({
        %run_scoped3A_91 = tpu.sem_alloc : memref<!tpu.dma_semaphore, #tpu.memory_space<semaphore_mem>>
        %dma_start3A_92 = arith.constant 0 : i32
        %dma_start3A_93 = tpu.memref_slice %arg6[%dma_start3A_92] : memref<9984xi32, #tpu.memory_space<vmem>> -> memref<128xi32, #tpu.memory_space<vmem>>
        %dma_start3A_94 = tpu.memref_slice %arg2[%run_scoped3A, %multiple_of3A_69] : memref<2x320000xi32, #tpu.memory_space<hbm>> -> memref<1x128xi32, #tpu.memory_space<hbm>>
        %dma_start3A_95 = tpu.memref_squeeze %dma_start3A_94 : memref<1x128xi32, #tpu.memory_space<hbm>> -> memref<128xi32, #tpu.memory_space<hbm>>
        %dma_start3A_96 = arith.constant 0 : i32
        %dma_start3A_97 = tpu.memref_slice %arg6[%dma_start3A_96] : memref<9984xi32, #tpu.memory_space<vmem>> -> memref<128xi32, #tpu.memory_space<vmem>>
        %dma_start3A_98 = tpu.memref_slice %arg2[%run_scoped3A, %multiple_of3A_69] : memref<2x320000xi32, #tpu.memory_space<hbm>> -> memref<1x128xi32, #tpu.memory_space<hbm>>
        %dma_start3A_99 = tpu.memref_squeeze %dma_start3A_98 : memref<1x128xi32, #tpu.memory_space<hbm>> -> memref<128xi32, #tpu.memory_space<hbm>>
        tpu.enqueue_dma source(%dma_start3A_99 : memref<128xi32, #tpu.memory_space<hbm>>) target(%dma_start3A_97 : memref<128xi32, #tpu.memory_space<vmem>>) target_semaphore(%run_scoped3A_91 : memref<!tpu.dma_semaphore, #tpu.memory_space<semaphore_mem>>)
        %dma_wait3A_100 = arith.constant 0 : i32
        %dma_wait3A_101 = tpu.memref_slice %arg6[%dma_wait3A_100] : memref<9984xi32, #tpu.memory_space<vmem>> -> memref<128xi32, #tpu.memory_space<vmem>>
        %dma_wait3A_102 = tpu.memref_slice %arg2[%run_scoped3A, %multiple_of3A_69] : memref<2x320000xi32, #tpu.memory_space<hbm>> -> memref<1x128xi32, #tpu.memory_space<hbm>>
        %dma_wait3A_103 = tpu.memref_squeeze %dma_wait3A_102 : memref<1x128xi32, #tpu.memory_space<hbm>> -> memref<128xi32, #tpu.memory_space<hbm>>
        %dma_wait3A_104 = arith.constant 0 : i32
        %dma_wait3A_105 = tpu.memref_slice %arg6[%dma_wait3A_104] : memref<9984xi32, #tpu.memory_space<vmem>> -> memref<128xi32, #tpu.memory_space<vmem>>
        %dma_wait3A_106 = tpu.memref_slice %arg2[%run_scoped3A, %multiple_of3A_69] : memref<2x320000xi32, #tpu.memory_space<hbm>> -> memref<1x128xi32, #tpu.memory_space<hbm>>
        %dma_wait3A_107 = tpu.memref_squeeze %dma_wait3A_106 : memref<1x128xi32, #tpu.memory_space<hbm>> -> memref<128xi32, #tpu.memory_space<hbm>>
        tpu.wait_dma2 semaphore(%run_scoped3A_91 : memref<!tpu.dma_semaphore, #tpu.memory_space<semaphore_mem>>) src(%dma_wait3A_107 : memref<128xi32, #tpu.memory_space<hbm>>) dst(%dma_wait3A_105 : memref<128xi32, #tpu.memory_space<vmem>>)
        tpu.yield
      }) : () -> ()
      %run_scoped3A_70 = arith.constant 1 : i32
      "tpu.region"() ({
        %run_scoped3A_91 = tpu.sem_alloc : memref<!tpu.dma_semaphore, #tpu.memory_space<semaphore_mem>>
        %dma_start3A_92 = arith.constant 0 : i32
        %dma_start3A_93 = tpu.memref_slice %arg7[%dma_start3A_92] : memref<9984xi32, #tpu.memory_space<vmem>> -> memref<128xi32, #tpu.memory_space<vmem>>
        %dma_start3A_94 = tpu.memref_slice %arg2[%run_scoped3A_70, %multiple_of3A_69] : memref<2x320000xi32, #tpu.memory_space<hbm>> -> memref<1x128xi32, #tpu.memory_space<hbm>>
        %dma_start3A_95 = tpu.memref_squeeze %dma_start3A_94 : memref<1x128xi32, #tpu.memory_space<hbm>> -> memref<128xi32, #tpu.memory_space<hbm>>
        %dma_start3A_96 = arith.constant 0 : i32
        %dma_start3A_97 = tpu.memref_slice %arg7[%dma_start3A_96] : memref<9984xi32, #tpu.memory_space<vmem>> -> memref<128xi32, #tpu.memory_space<vmem>>
        %dma_start3A_98 = tpu.memref_slice %arg2[%run_scoped3A_70, %multiple_of3A_69] : memref<2x320000xi32, #tpu.memory_space<hbm>> -> memref<1x128xi32, #tpu.memory_space<hbm>>
        %dma_start3A_99 = tpu.memref_squeeze %dma_start3A_98 : memref<1x128xi32, #tpu.memory_space<hbm>> -> memref<128xi32, #tpu.memory_space<hbm>>
        tpu.enqueue_dma source(%dma_start3A_99 : memref<128xi32, #tpu.memory_space<hbm>>) target(%dma_start3A_97 : memref<128xi32, #tpu.memory_space<vmem>>) target_semaphore(%run_scoped3A_91 : memref<!tpu.dma_semaphore, #tpu.memory_space<semaphore_mem>>)
        %dma_wait3A_100 = arith.constant 0 : i32
        %dma_wait3A_101 = tpu.memref_slice %arg7[%dma_wait3A_100] : memref<9984xi32, #tpu.memory_space<vmem>> -> memref<128xi32, #tpu.memory_space<vmem>>
        %dma_wait3A_102 = tpu.memref_slice %arg2[%run_scoped3A_70, %multiple_of3A_69] : memref<2x320000xi32, #tpu.memory_space<hbm>> -> memref<1x128xi32, #tpu.memory_space<hbm>>
        %dma_wait3A_103 = tpu.memref_squeeze %dma_wait3A_102 : memref<1x128xi32, #tpu.memory_space<hbm>> -> memref<128xi32, #tpu.memory_space<hbm>>
        %dma_wait3A_104 = arith.constant 0 : i32
        %dma_wait3A_105 = tpu.memref_slice %arg7[%dma_wait3A_104] : memref<9984xi32, #tpu.memory_space<vmem>> -> memref<128xi32, #tpu.memory_space<vmem>>
        %dma_wait3A_106 = tpu.memref_slice %arg2[%run_scoped3A_70, %multiple_of3A_69] : memref<2x320000xi32, #tpu.memory_space<hbm>> -> memref<1x128xi32, #tpu.memory_space<hbm>>
        %dma_wait3A_107 = tpu.memref_squeeze %dma_wait3A_106 : memref<1x128xi32, #tpu.memory_space<hbm>> -> memref<128xi32, #tpu.memory_space<hbm>>
        tpu.wait_dma2 semaphore(%run_scoped3A_91 : memref<!tpu.dma_semaphore, #tpu.memory_space<semaphore_mem>>) src(%dma_wait3A_107 : memref<128xi32, #tpu.memory_space<hbm>>) dst(%dma_wait3A_105 : memref<128xi32, #tpu.memory_space<vmem>>)
        tpu.yield
      }) : () -> ()
      %dma_start3A_71 = arith.constant 0 : i32
      %dma_start3A_72 = tpu.memref_slice %arg6[%dma_start3A_71] : memref<9984xi32, #tpu.memory_space<vmem>> -> memref<64xi32, #tpu.memory_space<vmem>>
      %dma_start3A_73 = arith.constant 0 : i32
      %dma_start3A_74 = arith.constant 0 : i32
      %dma_start3A_75 = tpu.memref_slice %arg3[%dma_start3A_73, %dma_start3A_74] : memref<10000x128xf32, #tpu.memory_space<hbm>> -> memref<10000x128xf32, #tpu.memory_space<hbm>>
      tpu.enqueue_indirect_dma source(%dma_start3A_75 : memref<10000x128xf32, #tpu.memory_space<hbm>>) target(%arg8 : memref<64x128xf32, #tpu.memory_space<vmem>>) offsets(%dma_start3A_72 : memref<64xi32, #tpu.memory_space<vmem>>) semaphore(%arg12 : memref<!tpu.dma_semaphore, #tpu.memory_space<semaphore_mem>>)
      %dma_start3A_76 = arith.constant 64 : i32
      %dma_start3A_77 = tpu.memref_slice %arg6[%dma_start3A_76] : memref<9984xi32, #tpu.memory_space<vmem>> -> memref<64xi32, #tpu.memory_space<vmem>>
      %dma_start3A_78 = arith.constant 0 : i32
      %dma_start3A_79 = arith.constant 0 : i32
      %dma_start3A_80 = tpu.memref_slice %arg3[%dma_start3A_78, %dma_start3A_79] : memref<10000x128xf32, #tpu.memory_space<hbm>> -> memref<10000x128xf32, #tpu.memory_space<hbm>>
      tpu.enqueue_indirect_dma source(%dma_start3A_80 : memref<10000x128xf32, #tpu.memory_space<hbm>>) target(%arg9 : memref<64x128xf32, #tpu.memory_space<vmem>>) offsets(%dma_start3A_77 : memref<64xi32, #tpu.memory_space<vmem>>) semaphore(%arg13 : memref<!tpu.dma_semaphore, #tpu.memory_space<semaphore_mem>>)
      %dma_wait3A_81 = arith.constant 0 : i32
      %dma_wait3A_82 = tpu.memref_slice %arg6[%dma_wait3A_81] : memref<9984xi32, #tpu.memory_space<vmem>> -> memref<64xi32, #tpu.memory_space<vmem>>
      %dma_wait3A_83 = arith.constant 0 : i32
      %dma_wait3A_84 = arith.constant 0 : i32
      %dma_wait3A_85 = tpu.memref_slice %arg3[%dma_wait3A_83, %dma_wait3A_84] : memref<10000x128xf32, #tpu.memory_space<hbm>> -> memref<10000x128xf32, #tpu.memory_space<hbm>>
      tpu.wait_indirect_dma semaphore(%arg12 : memref<!tpu.dma_semaphore, #tpu.memory_space<semaphore_mem>>) src(%dma_wait3A_85 : memref<10000x128xf32, #tpu.memory_space<hbm>>) dst(%arg8 : memref<64x128xf32, #tpu.memory_space<vmem>>)
      "tpu.region"() ({
        %run_scoped3A_91 = tpu.sem_alloc : memref<!tpu.dma_semaphore, #tpu.memory_space<semaphore_mem>>
        %dma_start3A_92 = arith.constant 0 : i32
        %dma_start3A_93 = tpu.memref_slice %arg7[%dma_start3A_92] : memref<9984xi32, #tpu.memory_space<vmem>> -> memref<64xi32, #tpu.memory_space<vmem>>
        %dma_start3A_94 = arith.constant 0 : i32
        %dma_start3A_95 = arith.constant 0 : i32
        %dma_start3A_96 = tpu.memref_slice %arg11[%dma_start3A_94, %dma_start3A_95] : memref<10000x128xf32, #tpu.memory_space<vmem_shared>> -> memref<10000x128xf32, #tpu.memory_space<vmem_shared>>
        tpu.enqueue_indirect_dma source(%arg8 : memref<64x128xf32, #tpu.memory_space<vmem>>) target(%dma_start3A_96 : memref<10000x128xf32, #tpu.memory_space<vmem_shared>>) offsets(%dma_start3A_93 : memref<64xi32, #tpu.memory_space<vmem>>) semaphore(%run_scoped3A_91 : memref<!tpu.dma_semaphore, #tpu.memory_space<semaphore_mem>>) {add = true}
        %dma_wait3A_97 = arith.constant 0 : i32
        %dma_wait3A_98 = tpu.memref_slice %arg7[%dma_wait3A_97] : memref<9984xi32, #tpu.memory_space<vmem>> -> memref<64xi32, #tpu.memory_space<vmem>>
        %dma_wait3A_99 = arith.constant 0 : i32
        %dma_wait3A_100 = arith.constant 0 : i32
        %dma_wait3A_101 = tpu.memref_slice %arg11[%dma_wait3A_99, %dma_wait3A_100] : memref<10000x128xf32, #tpu.memory_space<vmem_shared>> -> memref<10000x128xf32, #tpu.memory_space<vmem_shared>>
        tpu.wait_indirect_dma semaphore(%run_scoped3A_91 : memref<!tpu.dma_semaphore, #tpu.memory_space<semaphore_mem>>) src(%arg8 : memref<64x128xf32, #tpu.memory_space<vmem>>) dst(%dma_wait3A_101 : memref<10000x128xf32, #tpu.memory_space<vmem_shared>>)
        tpu.yield
      }) : () -> ()
      %dma_wait3A_86 = arith.constant 0 : i32
      %dma_wait3A_87 = tpu.memref_slice %arg6[%dma_wait3A_86] : memref<9984xi32, #tpu.memory_space<vmem>> -> memref<64xi32, #tpu.memory_space<vmem>>
      %dma_wait3A_88 = arith.constant 0 : i32
      %dma_wait3A_89 = arith.constant 0 : i32
      %dma_wait3A_90 = tpu.memref_slice %arg3[%dma_wait3A_88, %dma_wait3A_89] : memref<10000x128xf32, #tpu.memory_space<hbm>> -> memref<10000x128xf32, #tpu.memory_space<hbm>>
      tpu.wait_indirect_dma semaphore(%arg13 : memref<!tpu.dma_semaphore, #tpu.memory_space<semaphore_mem>>) src(%dma_wait3A_90 : memref<10000x128xf32, #tpu.memory_space<hbm>>) dst(%arg9 : memref<64x128xf32, #tpu.memory_space<vmem>>)
      "tpu.region"() ({
        %run_scoped3A_91 = tpu.sem_alloc : memref<!tpu.dma_semaphore, #tpu.memory_space<semaphore_mem>>
        %dma_start3A_92 = arith.constant 64 : i32
        %dma_start3A_93 = tpu.memref_slice %arg7[%dma_start3A_92] : memref<9984xi32, #tpu.memory_space<vmem>> -> memref<64xi32, #tpu.memory_space<vmem>>
        %dma_start3A_94 = arith.constant 0 : i32
        %dma_start3A_95 = arith.constant 0 : i32
        %dma_start3A_96 = tpu.memref_slice %arg11[%dma_start3A_94, %dma_start3A_95] : memref<10000x128xf32, #tpu.memory_space<vmem_shared>> -> memref<10000x128xf32, #tpu.memory_space<vmem_shared>>
        tpu.enqueue_indirect_dma source(%arg9 : memref<64x128xf32, #tpu.memory_space<vmem>>) target(%dma_start3A_96 : memref<10000x128xf32, #tpu.memory_space<vmem_shared>>) offsets(%dma_start3A_93 : memref<64xi32, #tpu.memory_space<vmem>>) semaphore(%run_scoped3A_91 : memref<!tpu.dma_semaphore, #tpu.memory_space<semaphore_mem>>) {add = true}
        %dma_wait3A_97 = arith.constant 64 : i32
        %dma_wait3A_98 = tpu.memref_slice %arg7[%dma_wait3A_97] : memref<9984xi32, #tpu.memory_space<vmem>> -> memref<64xi32, #tpu.memory_space<vmem>>
        %dma_wait3A_99 = arith.constant 0 : i32
        %dma_wait3A_100 = arith.constant 0 : i32
        %dma_wait3A_101 = tpu.memref_slice %arg11[%dma_wait3A_99, %dma_wait3A_100] : memref<10000x128xf32, #tpu.memory_space<vmem_shared>> -> memref<10000x128xf32, #tpu.memory_space<vmem_shared>>
        tpu.wait_indirect_dma semaphore(%run_scoped3A_91 : memref<!tpu.dma_semaphore, #tpu.memory_space<semaphore_mem>>) src(%arg9 : memref<64x128xf32, #tpu.memory_space<vmem>>) dst(%dma_wait3A_101 : memref<10000x128xf32, #tpu.memory_space<vmem_shared>>)
        tpu.yield
      }) : () -> ()
    } else {
    }
    %barrier3A_56 = arith.constant 0 : index
    tpu.barrier barrier_id(%barrier3A_56)
    %lt3A_57 = arith.constant 15 : i32
    %lt3A_58 = arith.cmpi slt, %arg1, %lt3A_57 : i32
    %convert_element_type3A_59 = arith.extui %lt3A_58 : i1 to i32
    %cond3A_60 = arith.constant 0 : i32
    %cond3A_61 = arith.cmpi ne, %convert_element_type3A_59, %cond3A_60 : i32
    scf.if %cond3A_61 {
      %mul3A_67 = arith.constant 640 : i32
      %mul3A_68 = arith.muli %arg1, %mul3A_67 : i32
      %mul3A_69 = arith.constant 640 : i32
      %mul3A_70 = arith.muli %arg1, %mul3A_69 : i32
      "tpu.region"() ({
        %run_scoped3A = tpu.sem_alloc : memref<!tpu.dma_semaphore, #tpu.memory_space<semaphore_mem>>
        %dma_start3A_71 = arith.constant 0 : i32
        %dma_start3A_72 = tpu.memref_slice %arg5[%arg0, %mul3A_70, %dma_start3A_71] : memref<2x10000x128xf32, #tpu.memory_space<hbm>> -> memref<1x640x128xf32, #tpu.memory_space<hbm>>
        %dma_start3A_73 = tpu.memref_squeeze %dma_start3A_72 : memref<1x640x128xf32, #tpu.memory_space<hbm>> -> memref<640x128xf32, #tpu.memory_space<hbm>>
        %dma_start3A_74 = arith.constant 0 : i32
        %dma_start3A_75 = tpu.memref_slice %arg11[%mul3A_68, %dma_start3A_74] : memref<10000x128xf32, #tpu.memory_space<vmem_shared>> -> memref<640x128xf32, #tpu.memory_space<vmem_shared>>
        tpu.enqueue_dma source(%dma_start3A_75 : memref<640x128xf32, #tpu.memory_space<vmem_shared>>) target(%dma_start3A_73 : memref<640x128xf32, #tpu.memory_space<hbm>>) target_semaphore(%run_scoped3A : memref<!tpu.dma_semaphore, #tpu.memory_space<semaphore_mem>>)
        %dma_wait3A_76 = arith.constant 0 : i32
        %dma_wait3A_77 = tpu.memref_slice %arg5[%arg0, %mul3A_70, %dma_wait3A_76] : memref<2x10000x128xf32, #tpu.memory_space<hbm>> -> memref<1x640x128xf32, #tpu.memory_space<hbm>>
        %dma_wait3A_78 = tpu.memref_squeeze %dma_wait3A_77 : memref<1x640x128xf32, #tpu.memory_space<hbm>> -> memref<640x128xf32, #tpu.memory_space<hbm>>
        %dma_wait3A_79 = arith.constant 0 : i32
        %dma_wait3A_80 = tpu.memref_slice %arg11[%mul3A_68, %dma_wait3A_79] : memref<10000x128xf32, #tpu.memory_space<vmem_shared>> -> memref<640x128xf32, #tpu.memory_space<vmem_shared>>
        tpu.wait_dma2 semaphore(%run_scoped3A : memref<!tpu.dma_semaphore, #tpu.memory_space<semaphore_mem>>) src(%dma_wait3A_80 : memref<640x128xf32, #tpu.memory_space<vmem_shared>>) dst(%dma_wait3A_78 : memref<640x128xf32, #tpu.memory_space<hbm>>)
        tpu.yield
      }) : () -> ()
    } else {
    }
    %eq3A_62 = arith.constant 15 : i32
    %eq3A_63 = arith.cmpi eq, %arg1, %eq3A_62 : i32
    %convert_element_type3A_64 = arith.extui %eq3A_63 : i1 to i32
    %cond3A_65 = arith.constant 0 : i32
    %cond3A_66 = arith.cmpi ne, %convert_element_type3A_64, %cond3A_65 : i32
    scf.if %cond3A_66 {
      "tpu.region"() ({
        %run_scoped3A = tpu.sem_alloc : memref<!tpu.dma_semaphore, #tpu.memory_space<semaphore_mem>>
        %dma_start3A_67 = arith.constant 9600 : i32
        %dma_start3A_68 = arith.constant 0 : i32
        %dma_start3A_69 = tpu.memref_slice %arg5[%arg0, %dma_start3A_67, %dma_start3A_68] : memref<2x10000x128xf32, #tpu.memory_space<hbm>> -> memref<1x400x128xf32, #tpu.memory_space<hbm>>
        %dma_start3A_70 = tpu.memref_squeeze %dma_start3A_69 : memref<1x400x128xf32, #tpu.memory_space<hbm>> -> memref<400x128xf32, #tpu.memory_space<hbm>>
        %dma_start3A_71 = arith.constant 9600 : i32
        %dma_start3A_72 = arith.constant 0 : i32
        %dma_start3A_73 = tpu.memref_slice %arg11[%dma_start3A_71, %dma_start3A_72] : memref<10000x128xf32, #tpu.memory_space<vmem_shared>> -> memref<400x128xf32, #tpu.memory_space<vmem_shared>>
        tpu.enqueue_dma source(%dma_start3A_73 : memref<400x128xf32, #tpu.memory_space<vmem_shared>>) target(%dma_start3A_70 : memref<400x128xf32, #tpu.memory_space<hbm>>) target_semaphore(%run_scoped3A : memref<!tpu.dma_semaphore, #tpu.memory_space<semaphore_mem>>)
        %dma_wait3A_74 = arith.constant 9600 : i32
        %dma_wait3A_75 = arith.constant 0 : i32
        %dma_wait3A_76 = tpu.memref_slice %arg5[%arg0, %dma_wait3A_74, %dma_wait3A_75] : memref<2x10000x128xf32, #tpu.memory_space<hbm>> -> memref<1x400x128xf32, #tpu.memory_space<hbm>>
        %dma_wait3A_77 = tpu.memref_squeeze %dma_wait3A_76 : memref<1x400x128xf32, #tpu.memory_space<hbm>> -> memref<400x128xf32, #tpu.memory_space<hbm>>
        %dma_wait3A_78 = arith.constant 9600 : i32
        %dma_wait3A_79 = arith.constant 0 : i32
        %dma_wait3A_80 = tpu.memref_slice %arg11[%dma_wait3A_78, %dma_wait3A_79] : memref<10000x128xf32, #tpu.memory_space<vmem_shared>> -> memref<400x128xf32, #tpu.memory_space<vmem_shared>>
        tpu.wait_dma2 semaphore(%run_scoped3A : memref<!tpu.dma_semaphore, #tpu.memory_space<semaphore_mem>>) src(%dma_wait3A_80 : memref<400x128xf32, #tpu.memory_space<vmem_shared>>) dst(%dma_wait3A_77 : memref<400x128xf32, #tpu.memory_space<hbm>>)
        tpu.yield
      }) : () -> ()
    } else {
    }
    return
  }
}

module attributes {stable_mosaic.version = 14 : i64} {
  func.func @_mm2_body(%arg0: i32, %arg1: memref<2000x128xf32, #tpu.memory_space<vmem>>, %arg2: memref<2x2000x128xf32, #tpu.memory_space<vmem>>, %arg3: memref<128x128xf32, #tpu.memory_space<vmem>>, %arg4: memref<2000x128xf32, #tpu.memory_space<vmem>>) attributes {dimension_semantics = [#tpu.dimension_semantics<arbitrary>], iteration_bounds = array<i64: 5>, scalar_prefetch = 0 : i64, scratch_operands = 0 : i64, tpu.core_type = #tpu.core_type<tc>, window_params = [{transform_indices = @transform_0, window_bounds = array<i64: 2000, 128>}, {transform_indices = @transform_1, window_bounds = array<i64: 2, 2000, 128>}, {pipeline_mode = #tpu.pipeline_mode<synchronous>, transform_indices = @transform_2, window_bounds = array<i64: 128, 128>}, {transform_indices = @transform_3, window_bounds = array<i64: 2000, 128>}]} {
    %get3A = arith.constant 0 : index
    %get3A_0 = arith.constant 0 : index
    %get3A_1 = arith.constant 0 : index
    %get3A_2 = vector.load %arg2[%get3A, %get3A_0, %get3A_1] : memref<2x2000x128xf32, #tpu.memory_space<vmem>>, vector<1x2000x128xf32>
    %get3A_3 = vector.shape_cast %get3A_2 : vector<1x2000x128xf32> to vector<2000x128xf32>
    %get3A_4 = arith.constant 1 : index
    %get3A_5 = arith.constant 0 : index
    %get3A_6 = arith.constant 0 : index
    %get3A_7 = vector.load %arg2[%get3A_4, %get3A_5, %get3A_6] : memref<2x2000x128xf32, #tpu.memory_space<vmem>>, vector<1x2000x128xf32>
    %get3A_8 = vector.shape_cast %get3A_7 : vector<1x2000x128xf32> to vector<2000x128xf32>
    %add3A = arith.addf %get3A_3, %get3A_8 : vector<2000x128xf32>
    %get3A_9 = arith.constant 0 : index
    %get3A_10 = arith.constant 0 : index
    %get3A_11 = vector.load %arg1[%get3A_9, %get3A_10] : memref<2000x128xf32, #tpu.memory_space<vmem>>, vector<2000x128xf32>
    %get3A_12 = arith.constant 0 : index
    %get3A_13 = arith.constant 0 : index
    %get3A_14 = vector.load %arg3[%get3A_12, %get3A_13] : memref<128x128xf32, #tpu.memory_space<vmem>>, vector<128x128xf32>
    %dot_general3A = arith.constant dense<0.000000e+00> : vector<2000x128xf32>
    %dot_general3A_15 = tpu.matmul %add3A, %get3A_14, %dot_general3A {dimension_numbers = #tpu.dot_dimension_numbers<[1], [0], [0], [1], [0, 0, 1, 1], [], []>, transpose_lhs_hint = false} : vector<2000x128xf32>, vector<128x128xf32>, vector<2000x128xf32> -> vector<2000x128xf32>
    %add3A_16 = arith.addf %get3A_11, %dot_general3A_15 : vector<2000x128xf32>
    %swap3A = arith.constant 0 : index
    %swap3A_17 = arith.constant 0 : index
    %swap3A_18 = vector.load %arg4[%swap3A, %swap3A_17] : memref<2000x128xf32, #tpu.memory_space<vmem>>, vector<2000x128xf32>
    tpu.vector_store %arg4[%swap3A, %swap3A_17], %add3A_16 {strides = array<i32>} : memref<2000x128xf32, #tpu.memory_space<vmem>>, vector<2000x128xf32>,
    return
  }
  func.func @transform_0(%arg0: i32) -> (i32, i32) {
    %c0_i32 = arith.constant 0 : i32
    %c0_i32_0 = arith.constant 0 : i32
    return %arg0, %c0_i32 : i32, i32
  }
  func.func @transform_1(%arg0: i32) -> (i32, i32, i32) {
    %c0_i32 = arith.constant 0 : i32
    %c0_i32_0 = arith.constant 0 : i32
    %c0_i32_1 = arith.constant 0 : i32
    return %c0_i32, %arg0, %c0_i32_0 : i32, i32, i32
  }
  func.func @transform_2(%arg0: i32) -> (i32, i32) {
    %c0_i32 = arith.constant 0 : i32
    %c0_i32_0 = arith.constant 0 : i32
    %c0_i32_1 = arith.constant 0 : i32
    return %c0_i32, %c0_i32_0 : i32, i32
  }
  func.func @transform_3(%arg0: i32) -> (i32, i32) {
    %c0_i32 = arith.constant 0 : i32
    %c0_i32_0 = arith.constant 0 : i32
    return %arg0, %c0_i32 : i32, i32
  }
}

module attributes {stable_mosaic.version = 14 : i64} {
  func.func @_mm1_body(%arg0: i32, %arg1: memref<2000x128xf32, #tpu.memory_space<vmem>>, %arg2: memref<128x128xf32, #tpu.memory_space<vmem>>, %arg3: memref<2000x128xf32, #tpu.memory_space<vmem>>) attributes {dimension_semantics = [#tpu.dimension_semantics<arbitrary>], iteration_bounds = array<i64: 5>, scalar_prefetch = 0 : i64, scratch_operands = 0 : i64, tpu.core_type = #tpu.core_type<tc>, window_params = [{transform_indices = @transform_0, window_bounds = array<i64: 2000, 128>}, {pipeline_mode = #tpu.pipeline_mode<synchronous>, transform_indices = @transform_1, window_bounds = array<i64: 128, 128>}, {transform_indices = @transform_2, window_bounds = array<i64: 2000, 128>}]} {
    %get3A = arith.constant 0 : index
    %get3A_0 = arith.constant 0 : index
    %get3A_1 = vector.load %arg1[%get3A, %get3A_0] : memref<2000x128xf32, #tpu.memory_space<vmem>>, vector<2000x128xf32>
    %get3A_2 = arith.constant 0 : index
    %get3A_3 = arith.constant 0 : index
    %get3A_4 = vector.load %arg2[%get3A_2, %get3A_3] : memref<128x128xf32, #tpu.memory_space<vmem>>, vector<128x128xf32>
    %dot_general3A = arith.constant dense<0.000000e+00> : vector<2000x128xf32>
    %dot_general3A_5 = tpu.matmul %get3A_1, %get3A_4, %dot_general3A {dimension_numbers = #tpu.dot_dimension_numbers<[1], [0], [0], [1], [0, 0, 1, 1], [], []>, transpose_lhs_hint = false} : vector<2000x128xf32>, vector<128x128xf32>, vector<2000x128xf32> -> vector<2000x128xf32>
    %swap3A = arith.constant 0 : index
    %swap3A_6 = arith.constant 0 : index
    %swap3A_7 = vector.load %arg3[%swap3A, %swap3A_6] : memref<2000x128xf32, #tpu.memory_space<vmem>>, vector<2000x128xf32>
    tpu.vector_store %arg3[%swap3A, %swap3A_6], %dot_general3A_5 {strides = array<i32>} : memref<2000x128xf32, #tpu.memory_space<vmem>>, vector<2000x128xf32>,
    return
  }
  func.func @transform_0(%arg0: i32) -> (i32, i32) {
    %c0_i32 = arith.constant 0 : i32
    %c0_i32_0 = arith.constant 0 : i32
    return %arg0, %c0_i32 : i32, i32
  }
  func.func @transform_1(%arg0: i32) -> (i32, i32) {
    %c0_i32 = arith.constant 0 : i32
    %c0_i32_0 = arith.constant 0 : i32
    %c0_i32_1 = arith.constant 0 : i32
    return %c0_i32, %c0_i32_0 : i32, i32
  }
  func.func @transform_2(%arg0: i32) -> (i32, i32) {
    %c0_i32 = arith.constant 0 : i32
    %c0_i32_0 = arith.constant 0 : i32
    return %arg0, %c0_i32 : i32, i32
  }
}

</mosaic_0001>

<sc_bundles>
// kernel: kernel.5.cloned.1.call-start
scs
__scs_entry_jumppad:
0x0: {  	(pc) =	sbr.rel $0x88, $3  }
0x1: {  	(tag) =	ssettag $0x0;
	lr =	simm.s32 $0x1  }
0x2: {  	[smem:$0x3F9D] =	sst lr;
	_ =	strace $0xD0000000  }
0x3: {  	_ = 	snop  }
0x4: {  	_ = 	snop  }
0x5: {  	_ = 	snop  }
0x6: {  	_ = 	snop  }
0x7: {  	_ = 	snop  }
__scs_overlays_trampoline_lowered:
0x8: {  	[smem:$0x3FAC] =	sst s0  }
0x9: {  	[smem:$0x3FAD] =	sst s1  }
0xa: {  	[smem:$0x3FAE] =	sst s2  }
0xb: {  	[smem:$0x3FAF] =	sst s3  }
0xc: {  	[smem:$0x3FB0] =	sst s4  }
0xd: {  	[smem:$0x3FB1] =	sst s5  }
0xe: {  	[smem:$0x3FB2] =	sst s6  }
0xf: {  	[smem:$0x3FB3] =	sst s7  }
0x10: {  	[smem:$0x3FB4] =	sst s8  }
0x11: {  	[smem:$0x3FB5] =	sst s9;
	s0 =	simm.s32 @!p0 $0x0  }
0x12: {  	s1 =	sld [smem:$0x3F9B];
	s0 =	simm.s32 @p0 $0x1  }
0x13: {  	[smem:$0x3FB6] =	sst s0;
	s0 =	simm.s32 @!p1 $0x0  }
0x14: {  	s2 =	sld [smem:$0x3F9A];
	s0 =	simm.s32 @p1 $0x1  }
0x15: {  	[smem:$0x3FB7] =	sst s0;
	s0 =	simm.s32 @!p2 $0x0  }
0x16: {  	s3 =	sld [smem:$0x3FDB];
	s0 =	simm.s32 @p2 $0x1  }
0x17: {  	s4 =	simm.s32 $0x1BF5;
	[smem:$0x3FB9] =	sst s0  }
0x18: {  	s0 =	sld [smem:$0x3F9C];
	_ =	swait.ge [sflag:s4], $0x0  }
0x19: {  	s7 =	sld [smem:$0x3F9D]  }
0x1a: {  	s8 =	sadd.s32 $0xFFFFE003, lr  }
0x1b: {  	s9 =	sadd.s32 $0xFFFFFEF7, lr;
	s5 =	simm.s32 $0xFFFFFFFF;
	p2 =	slt.u32 s8, $0xFFFFF086  }
0x1c: {  	p1 =	slt.u32 s9, $0xF7A;
	s5 =	simm.s32 @!p2 $0x0  }
0x1d: {  	s5 =	simm.s32 @p1 $0x1;
	p0 =	seq.s32 s7, s2  }
0x1e: {  	s7 =	smul.u32 @!p0 $0xF7A, s2;
	p2 =	seq.s32 @!p0 s5, $0x0  }
0x1f: {  	s9 =	smul.u32 $0xF7A, s1;
	s8 =	simm.s32 @!p0 $0x1BF5;
	p2 =	por !p2, p0  }
0x20: {  	[sflag:s8] =	ssyncset.s32 @!p0 $0xFFFFF086;
	s6 =	sadd.s32 @!p0 s3, s7;
	s7 =	simm.s32 @!p0 $0x108  }
0x21: {  	s3 =	sadd.s32 s3, s9;
	s6 =	sadd.s32 @!p0 $0x88, s6;
	s7 =	simm.s32 @p2 $0x1082  }
0x22: {  	[simem:s7], [sflag:s8] =	dma.local @!p0 [hbm:s6], $0xF7A  }
0x23: {  	s9 =	sor.u32 $0xD0000000, s2;
	s6 =	simm.s32 $0x108;
	_ =	swait.ge @!p0 [sflag:s8], $0x0  }
0x24: {  	s3 =	sadd.s32 $0x88, s3;
	s6 =	simm.s32 @!p1 $0x1082;
	[sflag:s4] =	ssyncset.s32 $0xFFFFF086  }
0x25: {  	[simem:s6], [sflag:s4] =	dma.local [hbm:s3], $0xF7A  }
0x26: {  	[smem:$0x3F9D] =	sst s1;
	(tag) =	ssettag s2;
	_ =	strace s9  }
0x27: {  	s1 =	sld [smem:$0x3FAD]  }
0x28: {  	s2 =	sld [smem:$0x3FAE]  }
0x29: {  	s4 =	sld [smem:$0x3FB0]  }
0x2a: {  	p0 =	seq.s32 s5, $0x0;
	s5 =	sld [smem:$0x3FB1]  }
0x2b: {  	s6 =	sld [smem:$0x3FB2]  }
0x2c: {  	s7 =	sld [smem:$0x3FB3]  }
0x2d: {  	s3 =	simm.s32 $0x108;
	s8 =	sld [smem:$0x3FB4]  }
0x2e: {  	s3 =	simm.s32 @!p0 $0x1082;
	s9 =	sld [smem:$0x3FB5]  }
0x2f: {  	lr =	sadd.s32 s0, s3;
	s0 =	sld [smem:$0x3FAC]  }
0x30: {  	s3 =	sld [smem:$0x3FAF]  }
0x31: {  	[smem:$0x3FB8] =	sst s10  }
0x32: {  	s10 =	sld [smem:$0x3FB6];
	_ =	sdelay $0x3  }
0x33: {  	p0 =	seq.s32 s10, $0x1;
	s10 =	sld [smem:$0x3FB8];
	_ =	sdelay $0x3  }
0x34: {  	[smem:$0x3FB8] =	sst s10  }
0x35: {  	s10 =	sld [smem:$0x3FB7];
	_ =	sdelay $0x3  }
0x36: {  	p1 =	seq.s32 s10, $0x1;
	s10 =	sld [smem:$0x3FB8];
	_ =	sdelay $0x3  }
0x37: {  	[smem:$0x3FB8] =	sst s10  }
0x38: {  	s10 =	sld [smem:$0x3FB9]  }
0x39: {  	_ = 	snop;
	(pc) =	sbr.ind lr, $3  }
0x3a: {  	_ = 	snop  }
0x3b: {  	_ = 	snop  }
0x3c: {  	p2 =	seq.s32 s10, $0x1;
	s10 =	sld [smem:$0x3FB8]  }
0x3d: {  	_ =	shalt  }
0x3e: {  	_ =	shalt  }
0x3f: {  	_ =	shalt  }
0x40: {  	_ =	shalt  }
0x41: {  	_ =	shalt  }
0x42: {  	_ =	shalt  }
0x43: {  	_ =	shalt  }
0x44: {  	_ =	shalt  }
0x45: {  	_ =	shalt  }
0x46: {  	_ =	shalt  }
0x47: {  	_ =	shalt  }
0x48: {  	_ =	shalt  }
0x49: {  	_ =	shalt  }
0x4a: {  	_ =	shalt  }
0x4b: {  	_ =	shalt  }
0x4c: {  	_ =	shalt  }
0x4d: {  	_ =	shalt  }
0x4e: {  	_ =	shalt  }
0x4f: {  	_ =	shalt  }
0x50: {  	_ =	shalt  }
0x51: {  	_ =	shalt  }
0x52: {  	_ =	shalt  }
0x53: {  	_ =	shalt  }
0x54: {  	_ =	shalt  }
0x55: {  	_ =	shalt  }
0x56: {  	_ =	shalt  }
0x57: {  	_ =	shalt  }
0x58: {  	_ =	shalt  }
0x59: {  	_ =	shalt  }
0x5a: {  	_ =	shalt  }
0x5b: {  	_ =	shalt  }
0x5c: {  	_ =	shalt  }
0x5d: {  	_ =	shalt  }
0x5e: {  	_ =	shalt  }
0x5f: {  	_ =	shalt  }
0x60: {  	_ =	shalt  }
0x61: {  	_ =	shalt  }
0x62: {  	_ =	shalt  }
0x63: {  	_ =	shalt  }
0x64: {  	_ =	shalt  }
0x65: {  	_ =	shalt  }
0x66: {  	_ =	shalt  }
0x67: {  	_ =	shalt  }
0x68: {  	_ =	shalt  }
0x69: {  	_ =	shalt  }
0x6a: {  	_ =	shalt  }
0x6b: {  	_ =	shalt  }
0x6c: {  	_ =	shalt  }
0x6d: {  	_ =	shalt  }
0x6e: {  	_ =	shalt  }
0x6f: {  	_ =	shalt  }
0x70: {  	_ =	shalt  }
0x71: {  	_ =	shalt  }
0x72: {  	_ =	shalt  }
0x73: {  	_ =	shalt  }
0x74: {  	_ =	shalt  }
0x75: {  	_ =	shalt  }
0x76: {  	_ =	shalt  }
0x77: {  	_ =	shalt  }
0x78: {  	_ =	shalt  }
0x79: {  	_ =	shalt  }
0x7a: {  	_ =	shalt  }
0x7b: {  	_ =	shalt  }
0x7c: {  	_ =	shalt  }
0x7d: {  	_ =	shalt  }
0x7e: {  	_ =	shalt  }
0x7f: {  	_ =	shalt  }
0x80: {  	_ =	shalt  }
0x81: {  	_ =	shalt  }
0x82: {  	_ =	shalt  }
0x83: {  	_ =	shalt  }
0x84: {  	_ =	shalt  }
0x85: {  	_ =	shalt  }
0x86: {  	_ =	shalt  }
0x87: {  	_ =	shalt  }
.Lfunc_end0:
.L_simem_size_0:
called_computation_lowered:
.L_overlay_start_0:
0x88: {  	s2 =	sld [smem:$0x3FD9]  }
0x89: {  	s3 =	sld [smem:$0x3FFE];
	_ =	sdelay $0x1  }
0x8a: {  	s1 =	srdreg.scid  }
0x8b: {  	s0 =	sand.u32 $0x1, s1  }
0x8c: {  	s17 =	sshll.u32 s0, $0xA;
	s2 =	sadd.s32 s3, s2  }
0x8d: {  	s2 =	sadd.s32 s2, s17  }
0x8e: {  	[smem:$0x3FC4] =	sst s2  }
0x8f: {  	_ = 	snop  }
0x90: {  	s2 =	sld [smem:$0x3FC9]  }
0x91: {  	s18 =	sld [smem:$0x3FC8]  }
0x92: {  	s4 =	sld [smem:$0x3FD0];
	(tm) =	ssettm $0x1  }
0x93: {  	s5 =	sld [smem:$0x3FFB];
	_ =	sdelay $0x3  }
0x94: {  	_ =	strace s5  }
0x95: {  	s5 =	sld [smem:$0x3FFC];
	_ =	sdelay $0x3  }
0x96: {  	_ =	strace s5  }
0x97: {  	s5 =	sld [smem:$0x3FFD];
	_ =	sdelay $0x3  }
0x98: {  	_ =	strace s5  }
0x99: {  	_ =	strace $0x8FFFFFFF  }
0x9a: {  	s19 =	sld [smem:$0x3FDB];
	_ =	sdelay $0x1  }
0x9b: {  	s6 =	simm.s32 $_scs_section_size  }
0x9c: {  	s7 =	simm.s32 $_size__tile_overlayer_lowered;
	s8 =	simm.s32 $_tile_overlayer_lowered  }
0x9d: {  	s22 =	simm.s32 $0x1BFF;
	s21 =	sshll.u32 s8, $0x1;
	s5 =	sadd.s32 s6, s19  }
0x9e: {  	s9 =	simm.s32 $0x0;
	s20 =	sshll.u32 s7, $0x1;
	s7 =	sadd.s32 s21, s5  }
0x9f: {  	[timem:s9], [sflag:s22] =	dma.local [hbm:s7], s20  }
0xa0: {  	_ =	swait.ge [sflag:s22], s20  }
0xa1: {  	s6 =	ssub.s32 $0x0, s20;
	[sflag:s22] =	ssyncset.done $0x0  }
0xa2: {  	[sflag:s22] =	ssyncadd.s32 s6;
	_ =	sdelay $0x1  }
0xa3: {  	s23 =	simm.s32 $0x1B8B  }
0xa4: {  	_ =	swait.ge [sflag:s23], $0x1  }
0xa5: {  	[sflag:s23] =	ssyncset.done $0x0  }
0xa6: {  	s25 =	simm.s32 $0x1B8E;
	s24 =	sld [smem:$0x3FFE];
	[sflag:s23] =	ssyncadd.s32 $0xFFFFFFFF  }
0xa7: {  	s26 =	simm.s32 $execute0_lowered;
	[smem:$0x3FD2] =	sst s25  }
0xa8: {  	s7 =	sshll.u32 s26, $0x1;
	_ =	strace $0x80000046;
	[dreg:$0x1] =	wrdreg $0xFFFFFFFF  }
0xa9: {  	s28 =	simm.s32 $_size_execute0_lowered;
	s5 =	sadd.s32 s5, s7;
	[dreg:$0x0] =	wrdreg $0x0  }
0xaa: {  	s7 =	sshll.u32 s28, $0x1;
	[dreg:$0x2] =	wrdreg s5  }
0xab: {  	[dreg:$0x3] =	wrdreg s7  }
0xac: {  	[dreg:$0x4] =	wrdreg $0xC0  }
0xad: {  	_ =	task [dreg:s9], $0x5FFFF  }
0xae: {  	[dreg:$0x1] =	wrdreg $0xFFFFFFFF  }
0xaf: {  	[dreg:$0x0] =	wrdreg $0x60  }
0xb0: {  	[dreg:$0x2] =	wrdreg s18  }
0xb1: {  	[dreg:$0x3] =	wrdreg s2  }
0xb2: {  	[dreg:$0x4] =	wrdreg s4  }
0xb3: {  	[dreg:$0x5] =	wrdreg s24  }
0xb4: {  	[dreg:$0x6] =	wrdreg $0xAE000  }
0xb5: {  	[dreg:$0x7] =	wrdreg $0x9  }
0xb6: {  	_ =	task.clear_ibuf [dreg:s9], $0x8FFFF;
	_ =	strace $0x90000046  }
0xb7: {  	s29 =	simm.s32 $0x9;
	_ =	strace $0x80000048  }
0xb8: {  	_ =	swait.ge [sflag:s29], $0x1  }
0xb9: {  	[sflag:s29] =	ssyncadd.s32 $0xFFFFFFFF  }
0xba: {  	_ =	strace $0x90000048  }
0xbb: {  	_ =	sfence  }
0xbc: {  	s30 =	sld [smem:$0x0];
	_ =	sdelay $0x2  }
0xbd: {  	s31 =	sshll.u32 s1, $0xD;
	s1 =	sshrl.u32 s1, $0x2  }
0xbe: {  	s3 =	sand.u32 $0x4000, s31;
	s1 =	sadd.s32 s1, s30  }
0xbf: {  	s0 =	sor.u32 s3, s0;
	s1 =	sshll.u32 s1, $0x11  }
0xc0: {  	s0 =	sor.u32 s1, s0  }
0xc1: {  	s0 =	sadd.s32 $0x8F2B, s0  }
0xc2: {  	[sflag:s0] =	ssyncadd.remote.s32 $0x1  }
0xc3: {  	_ =	sfence.sel $0xFFFF  }
0xc4: {  	[dreg:$0x0] =	wrdreg $0xFFFFFFFF;
	(pc) =	sbr.abs _section_cstart, $3  }
0xc5: {  	[dreg:$0x1] =	wrdreg $0xFFFFFFFF  }
0xc6: {  	_ =	task.clear_ibuf [dreg:s9], $0x2FFFF;
	_ =	strace $0x9FFFFFFF  }
0xc7: {  	(tm) =	ssettm $0x7FFFFFFF  }
tec
execute0_lowered:
.L_overlay_start_1:
0x0: {  	(tag) =	ssettag $0x1  }
0x1: {  	s0 =	rddreg [dreg:$0x0]  }
0x2: {  	s1 =	rddreg [dreg:$0x1]  }
0x3: {  	s2 =	rddreg [dreg:$0x3]  }
0x4: {  	s3 =	srdreg.scid;
	s10 =	stileid.u32  }
0x5: {  	s4 =	rddreg [dreg:$0x4];
	s5 =	simm.s32 $0x0;
	s3 =	sand.u32 $0x1, s3  }
0x6: {  	s6 =	sshll.u32 s10, $0x1;
	[smem:$0x7FF] =	sst s5;
	s8 =	smul.u32 $0x50000, s10  }
0x7: {  	s2 =	sadd.s32 $0xC00, s2;
	s15 =	smul.u32 $0x14000, s10;
	s6 =	sor.u32 s3, s6  }
0x8: {  	_ =	strace $0x80000047;
	s9 =	ssub.s32 $0x2, s3;
	s7 =	smul.u32 $0x4E, s6  }
0x9: {  	s6 =	smin.u32 s6, $0x4;
	s24 =	sshrl.u32 s9, $0x1;
	s8 =	sshrl.u32 s8, $0x2  }
0xa: {  	s9 =	ssub.s32 s9, s24;
	s24 =	sadd.s32 $0x12D400, s4;
	s6 =	sadd.s32 s6, s7  }
0xb: {  	s7 =	sadd.s32 s8, s4;
	s23 =	smax.u32 s9, $0x1;
	[dreg:$0x18] =	wrdreg s24  }
0xc: {  	p0 =	seq.s32 s10, $0xF;
	s25 =	sadd.s32 $0x1400, s7;
	[dreg:$0x17] =	wrdreg s23  }
0xd: {  	p1 =	sgt.u32 s10, $0x1;
	s26 =	sadd.s32 $0x2800, s7;
	[dreg:$0x6] =	wrdreg s25  }
0xe: {  	s29 =	sadd.s32 $0x12E800, s4;
	s28 =	sadd.s32 $0x3C00, s7;
	[dreg:$0x7] =	wrdreg s26  }
0xf: {  	s30 =	sadd.s32 $0x12FC00, s4;
	s8 =	sadd.s32 $0x5000, s7;
	[dreg:$0x8] =	wrdreg s28  }
0x10: {  	s12 =	smul.u32 $0x138800, s3;
	s11 =	sadd.s32 $0x6400, s7;
	[dreg:$0x9] =	wrdreg s8  }
0x11: {  	s10 =	simm.s32 $0x100;
	s13 =	sadd.s32 $0x7800, s7;
	[dreg:$0xa] =	wrdreg s11  }
0x12: {  	s3 =	sadd.s32 s15, s12;
	s14 =	sadd.s32 $0x8C00, s7;
	[dreg:$0xb] =	wrdreg s13  }
0x13: {  	s15 =	simm.s32 $0x1;
	s16 =	sadd.s32 $0xB400, s7;
	[dreg:$0xc] =	wrdreg s14  }
0x14: {  	s3 =	sshrl.u32 s3, $0x3;
	s17 =	sadd.s32 $0xC800, s7;
	[dreg:$0xe] =	wrdreg s16  }
0x15: {  	s24 =	sadd.s32 $0x133800, s4;
	s18 =	sadd.s32 $0xDC00, s7;
	[dreg:$0xf] =	wrdreg s17  }
0x16: {  	s9 =	simm.s32 $0x80;
	s19 =	sadd.s32 $0xF000, s7;
	[dreg:$0x10] =	wrdreg s18  }
0x17: {  	s6 =	sshll.u32 s6, $0x5;
	s20 =	sadd.s32 $0x10400, s7;
	[dreg:$0x11] =	wrdreg s19  }
0x18: {  	s21 =	sadd.s32 $0x11800, s7;
	s22 =	sadd.s32 $0x12C00, s7;
	[dreg:$0x12] =	wrdreg s20  }
0x19: {  	s6 =	sadd.s32 s0, s6;
	s8 =	sadd.s32 $0xA000, s7;
	[dreg:$0x13] =	wrdreg s21  }
0x1a: {  	s0 =	sshrl.u32 s12, $0x3;
	[dreg:$0x15] =	wrdreg s22;
	s26 =	sadd.s32 $0x12C000, s4  }
0x1b: {  	s22 =	sadd.s32 $0x136000, s4;
	s11 =	simm.s32 $0x2700;
	s12 =	simm.s32 $0x4E00  }
0x1c: {  	s13 =	simm.s32 $0x5;
	s14 =	simm.s32 $0x4;
	s16 =	simm.s32 $0x2  }
0x1d: {  	s17 =	simm.s32 $0x40;
	s18 =	simm.s32 $0x6E00;
	s19 =	simm.s32 $0x8E00  }
0x1e: {  	s20 =	simm.s32 $0x3;
	s21 =	simm.s32 $0x0;
	[dreg:$0xd] =	wrdreg s8  }
.Ltmp0:
0x1f: {  	s0 =	sadd.s32 s2, s0;
	s2 =	sadd.s32 s2, s3;
	(pc) =	sbr.rel .LBB2_1-.Ltmp0, $4  }
0x20: {  	s31 =	sadd.s32 $0x10, s6;
	s25 =	sadd.s32 $0x9C0, s6;
	[dreg:$0x14] =	wrdreg s2  }
0x21: {  	s3 =	sadd.s32 $0x132400, s4;
	s28 =	sadd.s32 $0x9D0, s6;
	[dreg:$0x19] =	wrdreg s25  }
0x22: {  	s8 =	sadd.s32 $0x137400, s4;
	s0 =	sadd.s32 $0x25800, s0;
	[dreg:$0x1a] =	wrdreg s28  }
0x23: {  	s2 =	sadd.s32 $0x134C00, s4;
	[dreg:$0x16] =	wrdreg s0;
	s0 =	sadd.s32 $0x131000, s4  }
.LBB2_7:
0x24: {  	s23 =	sshrl.u32 s26, $0x3;
	s25 =	rddreg [dreg:$0x16];
	s28 =	simm.s32 $0x1FC5  }
0x25: {  	[hbm:s25], [sflag:s28] =	dma.local [spmem:s23], $0x1900  }
0x26: {  	_ =	swait.ge [sflag:s13], $0x1900  }
0x27: {  	[sflag:s13] =	ssyncset.done $0x0  }
0x28: {  	[sflag:s13] =	ssyncadd.s32 $0xFFFFE700  }
.LBB2_8:
0x29: {  	s21 =	sadd.s32 $0x1, s21;
	s23 =	rddreg [dreg:$0x17]  }
0x2a: {  	p2 =	sne.s32 s21, s23  }
.Ltmp1:
0x2b: {  	_ = 	snop;
	(pc) =	sbr.rel @!p2 .LBB2_9-.Ltmp1, $1  }
0x2c: {  	_ =	sdelay $0x3  }
.LBB2_1:
0x2d: {  	[tilespmem:s5], [sflag:$0x1] =	stream.strided.gather [hbm4b:s6+s9], $0x2700, s10, s9, $0x38;
	[tilespmem:$0x1E680] =	vst v63  }
0x2e: {  	_ = 	snop  }
0x2f: {  	[tilespmem:s11], [sflag:$0x2] =	stream.strided.gather [hbm4b:s31+s9], $0x2700, s10, s9, $0x38;
	[tilespmem:$0x1E680] =	vst v63  }
0x30: {  	s23 =	rddreg [dreg:$0x2]  }
0x31: {  	[tilespmem:s12], [sflag:$0x5] =	stream.linear.gather [hbm4b:s23+s5], $0x2000, $0x38;
	[tilespmem:$0x1E680] =	vst v63  }
0x32: {  	_ =	swait.ge [sflag:s13], $0x2000  }
0x33: {  	[sflag:s13] =	ssyncset.done $0x0  }
0x34: {  	s23 =	simm.s32 @p0 $0x4E00;
	[sflag:s13] =	ssyncadd.s32 $0xFFFFE000  }
0x35: {  	[spmem:s26] =	stream.linear.scatter @p0 [tilespmem:s23], [sflag:$0x4], $0x1400, $0x38;
	[tilespmem:$0x1E680] =	vst v63  }
0x36: {  	s25 =	rddreg [dreg:$0x18]  }
0x37: {  	[spmem:s25] =	stream.linear.scatter @p0 [tilespmem:s23], [sflag:$0x4], $0x1400, $0x38;
	[tilespmem:$0x1E680] =	vst v63  }
0x38: {  	_ = 	snop  }
0x39: {  	[spmem:s29] =	stream.linear.scatter @p0 [tilespmem:s23], [sflag:$0x4], $0x1400, $0x38;
	[tilespmem:$0x1E680] =	vst v63  }
0x3a: {  	_ = 	snop  }
0x3b: {  	[spmem:s30] =	stream.linear.scatter @p0 [tilespmem:s23], [sflag:$0x4], $0x1400, $0x38;
	[tilespmem:$0x1E680] =	vst v63  }
0x3c: {  	_ = 	snop  }
0x3d: {  	[spmem:s0] =	stream.linear.scatter @p0 [tilespmem:s23], [sflag:$0x4], $0x1400, $0x38;
	[tilespmem:$0x1E680] =	vst v63  }
0x3e: {  	_ = 	snop  }
0x3f: {  	[spmem:s3] =	stream.linear.scatter @p0 [tilespmem:s23], [sflag:$0x4], $0x1400, $0x38;
	[tilespmem:$0x1E680] =	vst v63  }
0x40: {  	_ = 	snop  }
0x41: {  	[spmem:s24] =	stream.linear.scatter @p0 [tilespmem:s23], [sflag:$0x4], $0x1400, $0x38;
	[tilespmem:$0x1E680] =	vst v63  }
0x42: {  	_ = 	snop  }
0x43: {  	[spmem:s2] =	stream.linear.scatter @p0 [tilespmem:s23], [sflag:$0x4], $0x1400, $0x38;
	[tilespmem:$0x1E680] =	vst v63  }
0x44: {  	_ = 	snop  }
0x45: {  	[spmem:s22] =	stream.linear.scatter @p0 [tilespmem:s23], [sflag:$0x4], $0x1400, $0x38;
	[tilespmem:$0x1E680] =	vst v63  }
0x46: {  	_ = 	snop  }
0x47: {  	[spmem:s8] =	stream.linear.scatter @p0 [tilespmem:s23], [sflag:$0x4], $0x1400, $0x38;
	[tilespmem:$0x1E680] =	vst v63  }
0x48: {  	s23 =	simm.s32 @!p0 $0x4E00  }
0x49: {  	[spmem:s7] =	stream.linear.scatter @!p0 [tilespmem:s23], [sflag:$0x4], $0x1400, $0x38;
	[tilespmem:$0x1E680] =	vst v63  }
0x4a: {  	s25 =	rddreg [dreg:$0x6]  }
0x4b: {  	[spmem:s25] =	stream.linear.scatter @!p0 [tilespmem:s23], [sflag:$0x4], $0x1400, $0x38;
	[tilespmem:$0x1E680] =	vst v63  }
0x4c: {  	s25 =	rddreg [dreg:$0x7]  }
0x4d: {  	[spmem:s25] =	stream.linear.scatter @!p0 [tilespmem:s23], [sflag:$0x4], $0x1400, $0x38;
	[tilespmem:$0x1E680] =	vst v63  }
0x4e: {  	s25 =	rddreg [dreg:$0x8]  }
0x4f: {  	[spmem:s25] =	stream.linear.scatter @!p0 [tilespmem:s23], [sflag:$0x4], $0x1400, $0x38;
	[tilespmem:$0x1E680] =	vst v63  }
0x50: {  	s25 =	rddreg [dreg:$0x9]  }
0x51: {  	[spmem:s25] =	stream.linear.scatter @!p0 [tilespmem:s23], [sflag:$0x4], $0x1400, $0x38;
	[tilespmem:$0x1E680] =	vst v63  }
0x52: {  	s25 =	rddreg [dreg:$0xa]  }
0x53: {  	[spmem:s25] =	stream.linear.scatter @!p0 [tilespmem:s23], [sflag:$0x4], $0x1400, $0x38;
	[tilespmem:$0x1E680] =	vst v63  }
0x54: {  	s25 =	rddreg [dreg:$0xb]  }
0x55: {  	[spmem:s25] =	stream.linear.scatter @!p0 [tilespmem:s23], [sflag:$0x4], $0x1400, $0x38;
	[tilespmem:$0x1E680] =	vst v63  }
0x56: {  	s25 =	rddreg [dreg:$0xc]  }
0x57: {  	[spmem:s25] =	stream.linear.scatter @!p0 [tilespmem:s23], [sflag:$0x4], $0x1400, $0x38;
	[tilespmem:$0x1E680] =	vst v63  }
0x58: {  	s25 =	rddreg [dreg:$0xd]  }
0x59: {  	[spmem:s25] =	stream.linear.scatter @!p0 [tilespmem:s23], [sflag:$0x4], $0x1400, $0x38;
	[tilespmem:$0x1E680] =	vst v63  }
0x5a: {  	s25 =	rddreg [dreg:$0xe]  }
0x5b: {  	[spmem:s25] =	stream.linear.scatter @!p0 [tilespmem:s23], [sflag:$0x4], $0x1400, $0x38;
	[tilespmem:$0x1E680] =	vst v63  }
0x5c: {  	s25 =	rddreg [dreg:$0xf]  }
0x5d: {  	[spmem:s25] =	stream.linear.scatter @!p0 [tilespmem:s23], [sflag:$0x4], $0x1400, $0x38;
	[tilespmem:$0x1E680] =	vst v63  }
0x5e: {  	s25 =	rddreg [dreg:$0x10]  }
0x5f: {  	[spmem:s25] =	stream.linear.scatter @!p0 [tilespmem:s23], [sflag:$0x4], $0x1400, $0x38;
	[tilespmem:$0x1E680] =	vst v63  }
0x60: {  	s25 =	rddreg [dreg:$0x11]  }
0x61: {  	[spmem:s25] =	stream.linear.scatter @!p0 [tilespmem:s23], [sflag:$0x4], $0x1400, $0x38;
	[tilespmem:$0x1E680] =	vst v63  }
0x62: {  	s25 =	rddreg [dreg:$0x12]  }
0x63: {  	[spmem:s25] =	stream.linear.scatter @!p0 [tilespmem:s23], [sflag:$0x4], $0x1400, $0x38;
	[tilespmem:$0x1E680] =	vst v63  }
0x64: {  	s25 =	rddreg [dreg:$0x13]  }
0x65: {  	[spmem:s25] =	stream.linear.scatter @!p0 [tilespmem:s23], [sflag:$0x4], $0x1400, $0x38;
	[tilespmem:$0x1E680] =	vst v63  }
0x66: {  	s25 =	rddreg [dreg:$0x15]  }
0x67: {  	[spmem:s25] =	stream.linear.scatter @!p0 [tilespmem:s23], [sflag:$0x4], $0x1400, $0x38;
	[tilespmem:$0x1E680] =	vst v63  }
0x68: {  	s23 =	simm.s32 @!p0 $0x4  }
0x69: {  	_ =	swait.ge @!p0 [sflag:s23], $0x1400  }
0x6a: {  	[sflag:s23] =	ssyncset.done @!p0 $0x0  }
0x6b: {  	[sflag:s23] =	ssyncadd.s32 @!p0 $0xFFFFEC00  }
0x6c: {  	_ =	swait.ge @!p0 [sflag:s23], $0x1400  }
0x6d: {  	[sflag:s23] =	ssyncset.done @!p0 $0x0  }
0x6e: {  	[sflag:s23] =	ssyncadd.s32 @!p0 $0xFFFFEC00  }
0x6f: {  	_ =	swait.ge @!p0 [sflag:s23], $0x1400  }
0x70: {  	[sflag:s23] =	ssyncset.done @!p0 $0x0  }
0x71: {  	[sflag:s23] =	ssyncadd.s32 @!p0 $0xFFFFEC00  }
0x72: {  	_ =	swait.ge @!p0 [sflag:s23], $0x1400  }
0x73: {  	[sflag:s23] =	ssyncset.done @!p0 $0x0  }
0x74: {  	[sflag:s23] =	ssyncadd.s32 @!p0 $0xFFFFEC00  }
0x75: {  	_ =	swait.ge @!p0 [sflag:s23], $0x1400  }
0x76: {  	[sflag:s23] =	ssyncset.done @!p0 $0x0  }
0x77: {  	[sflag:s23] =	ssyncadd.s32 @!p0 $0xFFFFEC00  }
0x78: {  	_ =	swait.ge @!p0 [sflag:s23], $0x1400  }
0x79: {  	[sflag:s23] =	ssyncset.done @!p0 $0x0  }
0x7a: {  	[sflag:s23] =	ssyncadd.s32 @!p0 $0xFFFFEC00  }
0x7b: {  	_ =	swait.ge [sflag:s14], $0x1400  }
0x7c: {  	[sflag:s14] =	ssyncset.done $0x0  }
0x7d: {  	[sflag:s14] =	ssyncadd.s32 $0xFFFFEC00  }
0x7e: {  	_ =	swait.ge [sflag:s14], $0x1400  }
0x7f: {  	[sflag:s14] =	ssyncset.done $0x0  }
0x80: {  	[sflag:s14] =	ssyncadd.s32 $0xFFFFEC00  }
0x81: {  	_ =	swait.ge [sflag:s14], $0x1400  }
0x82: {  	[sflag:s14] =	ssyncset.done $0x0  }
0x83: {  	[sflag:s14] =	ssyncadd.s32 $0xFFFFEC00  }
0x84: {  	_ =	swait.ge [sflag:s14], $0x1400  }
0x85: {  	[sflag:s14] =	ssyncset.done $0x0  }
0x86: {  	[sflag:s14] =	ssyncadd.s32 $0xFFFFEC00  }
0x87: {  	_ =	swait.ge [sflag:s14], $0x1400  }
0x88: {  	[sflag:s14] =	ssyncset.done $0x0  }
0x89: {  	[sflag:s14] =	ssyncadd.s32 $0xFFFFEC00  }
0x8a: {  	_ =	swait.ge [sflag:s14], $0x1400  }
0x8b: {  	[sflag:s14] =	ssyncset.done $0x0  }
0x8c: {  	[sflag:s14] =	ssyncadd.s32 $0xFFFFEC00  }
0x8d: {  	_ =	swait.ge [sflag:s14], $0x1400  }
0x8e: {  	[sflag:s14] =	ssyncset.done $0x0  }
0x8f: {  	[sflag:s14] =	ssyncadd.s32 $0xFFFFEC00  }
0x90: {  	_ =	swait.ge [sflag:s14], $0x1400  }
0x91: {  	[sflag:s14] =	ssyncset.done $0x0  }
0x92: {  	[sflag:s14] =	ssyncadd.s32 $0xFFFFEC00  }
0x93: {  	_ =	swait.ge [sflag:s14], $0x1400  }
0x94: {  	[sflag:s14] =	ssyncset.done $0x0  }
0x95: {  	[sflag:s14] =	ssyncadd.s32 $0xFFFFEC00  }
0x96: {  	_ =	swait.ge [sflag:s14], $0x1400  }
0x97: {  	[sflag:s14] =	ssyncset.done $0x0  }
0x98: {  	[sflag:s14] =	ssyncadd.s32 $0xFFFFEC00  }
0x99: {  	_ =	swait.ge [sflag:s15], $0x2700  }
0x9a: {  	[sflag:s15] =	ssyncset.done $0x0  }
0x9b: {  	[sflag:s15] =	ssyncadd.s32 $0xFFFFD900  }
0x9c: {  	_ =	swait.ge [sflag:s16], $0x2700  }
0x9d: {  	[sflag:s16] =	ssyncset.done $0x0  }
0x9e: {  	[sflag:s16] =	ssyncadd.s32 $0xFFFFD900  }
0x9f: {  	[tilespmem:s12], [sflag:$0x1] =	stream.indirect.gather [hbm4b:s1+s17], $0x80, s5, s17, $0xb8;
	[tilespmem:$0x1E680] =	vst v63  }
0xa0: {  	_ = 	snop  }
0xa1: {  	[tilespmem:s18], [sflag:$0x2] =	stream.indirect.gather [hbm4b:s1+s17], $0x80, s17, s17, $0xb8;
	[tilespmem:$0x1E680] =	vst v63  }
0xa2: {  	_ = 	snop  }
0xa3: {  	[tilespmem:s19], [sflag:$0x3] =	stream.indirect.gather [hbm4b:s1+s17], $0x80, s9, s17, $0xb8;
	[tilespmem:$0x1E680] =	vst v63  }
0xa4: {  	[bflag:$0x0] =	sbarrier.arrive $0xFFFF  }
0xa5: {  	_ =	swait.ge [sflag:s15], $0x2000  }
0xa6: {  	[sflag:s15] =	ssyncset.done $0x0  }
0xa7: {  	s28 =	simm.s32 $0x2700;
	[sflag:s15] =	ssyncadd.s32 $0xFFFFE000  }
0xa8: {  	[spmem:s4] =	stream.indirect.scatter.add.f32 [tilespmem:s12], [sflag:$0x5], $0x80, s28, s17, $0xb8;
	[tilespmem:$0x1E680] =	vst v63  }
0xa9: {  	_ =	swait.ge [sflag:s13], $0x2000  }
0xaa: {  	[sflag:s13] =	ssyncset.done $0x0  }
0xab: {  	s25 =	simm.s32 $0xC0;
	[sflag:s13] =	ssyncadd.s32 $0xFFFFE000  }
0xac: {  	[tilespmem:s12], [sflag:$0x1] =	stream.indirect.gather [hbm4b:s1+s17], $0x80, s25, s17, $0xb8;
	[tilespmem:$0x1E680] =	vst v63  }
0xad: {  	_ =	swait.ge [sflag:s16], $0x2000  }
0xae: {  	[sflag:s16] =	ssyncset.done $0x0  }
0xaf: {  	s28 =	simm.s32 $0x2740;
	[sflag:s16] =	ssyncadd.s32 $0xFFFFE000  }
0xb0: {  	[spmem:s4] =	stream.indirect.scatter.add.f32 [tilespmem:s18], [sflag:$0x5], $0x80, s28, s17, $0xb8;
	[tilespmem:$0x1E680] =	vst v63  }
0xb1: {  	_ =	swait.ge [sflag:s13], $0x2000  }
0xb2: {  	[sflag:s13] =	ssyncset.done $0x0  }
0xb3: {  	s25 =	simm.s32 $0x100;
	[sflag:s13] =	ssyncadd.s32 $0xFFFFE000  }
0xb4: {  	[tilespmem:s18], [sflag:$0x2] =	stream.indirect.gather [hbm4b:s1+s17], $0x80, s25, s17, $0xb8;
	[tilespmem:$0x1E680] =	vst v63  }
0xb5: {  	_ =	swait.ge [sflag:s20], $0x2000  }
0xb6: {  	[sflag:s20] =	ssyncset.done $0x0  }
0xb7: {  	s28 =	simm.s32 $0x2780;
	[sflag:s20] =	ssyncadd.s32 $0xFFFFE000  }
0xb8: {  	[spmem:s4] =	stream.indirect.scatter.add.f32 [tilespmem:s19], [sflag:$0x5], $0x80, s28, s17, $0xb8;
	[tilespmem:$0x1E680] =	vst v63  }
0xb9: {  	_ =	swait.ge [sflag:s13], $0x2000  }
0xba: {  	[sflag:s13] =	ssyncset.done $0x0  }
0xbb: {  	s23 =	simm.s32 $0x300;
	s25 =	simm.s32 $0x140;
	[sflag:s13] =	ssyncadd.s32 $0xFFFFE000  }
.LBB2_2:
0xbc: {  	[tilespmem:s19], [sflag:$0x3] =	stream.indirect.gather [hbm4b:s1+s17], $0x80, s25, s17, $0xb8;
	[tilespmem:$0x1E680] =	vst v63  }
0xbd: {  	s25 =	smov.u32 s23  }
0xbe: {  	p2 =	sne.s32 s23, $0x9600;
	s23 =	sadd.s32 $0x300, s23;
	_ =	swait.ge [sflag:s15], $0x2000  }
0xbf: {  	s25 =	sshra.s32 s25, $0x2;
	[sflag:s15] =	ssyncset.done $0x0  }
0xc0: {  	s28 =	sadd.s32 $0x2700, s25;
	[sflag:s15] =	ssyncadd.s32 $0xFFFFE000  }
0xc1: {  	[spmem:s4] =	stream.indirect.scatter.add.f32 [tilespmem:s12], [sflag:$0x5], $0x80, s28, s17, $0xb8;
	[tilespmem:$0x1E680] =	vst v63  }
0xc2: {  	_ =	swait.ge [sflag:s13], $0x2000  }
0xc3: {  	[sflag:s13] =	ssyncset.done $0x0  }
0xc4: {  	s28 =	sadd.s32 $0xC0, s25;
	[sflag:s13] =	ssyncadd.s32 $0xFFFFE000  }
0xc5: {  	[tilespmem:s12], [sflag:$0x1] =	stream.indirect.gather [hbm4b:s1+s17], $0x80, s28, s17, $0xb8;
	[tilespmem:$0x1E680] =	vst v63  }
0xc6: {  	_ =	swait.ge [sflag:s16], $0x2000  }
0xc7: {  	[sflag:s16] =	ssyncset.done $0x0  }
0xc8: {  	s28 =	sadd.s32 $0x2740, s25;
	[sflag:s16] =	ssyncadd.s32 $0xFFFFE000  }
0xc9: {  	[spmem:s4] =	stream.indirect.scatter.add.f32 [tilespmem:s18], [sflag:$0x5], $0x80, s28, s17, $0xb8;
	[tilespmem:$0x1E680] =	vst v63  }
0xca: {  	_ =	swait.ge [sflag:s13], $0x2000  }
0xcb: {  	[sflag:s13] =	ssyncset.done $0x0  }
0xcc: {  	s28 =	sadd.s32 $0x100, s25;
	[sflag:s13] =	ssyncadd.s32 $0xFFFFE000  }
0xcd: {  	[tilespmem:s18], [sflag:$0x2] =	stream.indirect.gather [hbm4b:s1+s17], $0x80, s28, s17, $0xb8;
	[tilespmem:$0x1E680] =	vst v63  }
0xce: {  	_ =	swait.ge [sflag:s20], $0x2000  }
0xcf: {  	[sflag:s20] =	ssyncset.done $0x0  }
.Ltmp2:
0xd0: {  	s28 =	sadd.s32 $0x2780, s25;
	[sflag:s20] =	ssyncadd.s32 $0xFFFFE000;
	(pc) =	sbr.rel @p2 .LBB2_2-.Ltmp2, $4  }
0xd1: {  	[spmem:s4] =	stream.indirect.scatter.add.f32 [tilespmem:s19], [sflag:$0x5], $0x80, s28, s17, $0xb8;
	[tilespmem:$0x1E680] =	vst v63  }
0xd2: {  	_ =	swait.ge [sflag:s13], $0x2000  }
0xd3: {  	[sflag:s13] =	ssyncset.done $0x0  }
0xd4: {  	s25 =	sadd.s32 $0x140, s25;
	[sflag:s13] =	ssyncadd.s32 $0xFFFFE000  }
0xd5: {  	[tilespmem:s19], [sflag:$0x3] =	stream.indirect.gather [hbm4b:s1+s17], $0x80, s25, s17, $0xb8;
	[tilespmem:$0x1E680] =	vst v63  }
0xd6: {  	_ =	swait.ge [sflag:s15], $0x2000  }
0xd7: {  	[sflag:s15] =	ssyncset.done $0x0  }
0xd8: {  	s23 =	simm.s32 $0x4D40;
	[sflag:s15] =	ssyncadd.s32 $0xFFFFE000  }
0xd9: {  	[spmem:s4] =	stream.indirect.scatter.add.f32 [tilespmem:s12], [sflag:$0x5], $0x80, s23, s17, $0xb8;
	[tilespmem:$0x1E680] =	vst v63  }
0xda: {  	_ =	swait.ge [sflag:s13], $0x2000  }
0xdb: {  	[sflag:s13] =	ssyncset.done $0x0  }
0xdc: {  	[sflag:s13] =	ssyncadd.s32 $0xFFFFE000  }
0xdd: {  	_ =	swait.ge [sflag:s16], $0x2000  }
0xde: {  	[sflag:s16] =	ssyncset.done $0x0  }
0xdf: {  	s25 =	simm.s32 $0x4D80;
	[sflag:s16] =	ssyncadd.s32 $0xFFFFE000  }
0xe0: {  	[spmem:s4] =	stream.indirect.scatter.add.f32 [tilespmem:s18], [sflag:$0x5], $0x80, s25, s17, $0xb8;
	[tilespmem:$0x1E680] =	vst v63  }
0xe1: {  	_ =	swait.ge [sflag:s13], $0x2000  }
0xe2: {  	[sflag:s13] =	ssyncset.done $0x0  }
0xe3: {  	[sflag:s13] =	ssyncadd.s32 $0xFFFFE000  }
0xe4: {  	_ =	swait.ge [sflag:s20], $0x2000  }
0xe5: {  	[sflag:s20] =	ssyncset.done $0x0  }
.Ltmp3:
0xe6: {  	s28 =	simm.s32 $0x4DC0;
	[sflag:s20] =	ssyncadd.s32 $0xFFFFE000;
	(pc) =	sbr.rel @p1 .LBB2_5-.Ltmp3, $4  }
0xe7: {  	[spmem:s4] =	stream.indirect.scatter.add.f32 [tilespmem:s19], [sflag:$0x5], $0x80, s28, s17, $0xb8;
	[tilespmem:$0x1E680] =	vst v63  }
0xe8: {  	_ =	swait.ge [sflag:s13], $0x2000  }
0xe9: {  	[sflag:s13] =	ssyncset.done $0x0  }
0xea: {  	[sflag:s13] =	ssyncadd.s32 $0xFFFFE000  }
0xeb: {  	s23 =	rddreg [dreg:$0x19]  }
0xec: {  	[tilespmem:s5], [sflag:$0x5] =	stream.linear.gather [hbm4b:s23+s5], $0x80, $0x38;
	[tilespmem:$0x1E680] =	vst v63  }
0xed: {  	_ =	swait.ge [sflag:s13], $0x80  }
0xee: {  	[sflag:s13] =	ssyncset.done $0x0  }
0xef: {  	s25 =	rddreg [dreg:$0x1a];
	[sflag:s13] =	ssyncadd.s32 $0xFFFFFF80  }
0xf0: {  	[tilespmem:s11], [sflag:$0x5] =	stream.linear.gather [hbm4b:s25+s5], $0x80, $0x38;
	[tilespmem:$0x1E680] =	vst v63  }
0xf1: {  	_ =	swait.ge [sflag:s13], $0x80  }
0xf2: {  	[sflag:s13] =	ssyncset.done $0x0  }
0xf3: {  	[sflag:s13] =	ssyncadd.s32 $0xFFFFFF80  }
0xf4: {  	[tilespmem:s12], [sflag:$0x1] =	stream.indirect.gather [hbm4b:s1+s17], $0x80, s5, s17, $0xb8;
	[tilespmem:$0x1E680] =	vst v63  }
0xf5: {  	_ = 	snop  }
0xf6: {  	[tilespmem:s18], [sflag:$0x2] =	stream.indirect.gather [hbm4b:s1+s17], $0x80, s17, s17, $0xb8;
	[tilespmem:$0x1E680] =	vst v63  }
0xf7: {  	_ =	swait.ge [sflag:s15], $0x2000  }
0xf8: {  	[sflag:s15] =	ssyncset.done $0x0  }
0xf9: {  	[sflag:s15] =	ssyncadd.s32 $0xFFFFE000  }
0xfa: {  	[spmem:s4] =	stream.indirect.scatter.add.f32 [tilespmem:s12], [sflag:$0x5], $0x80, s11, s17, $0xb8;
	[tilespmem:$0x1E680] =	vst v63  }
0xfb: {  	_ =	swait.ge [sflag:s13], $0x2000  }
0xfc: {  	[sflag:s13] =	ssyncset.done $0x0  }
0xfd: {  	[sflag:s13] =	ssyncadd.s32 $0xFFFFE000  }
0xfe: {  	_ =	swait.ge [sflag:s16], $0x2000  }
0xff: {  	[sflag:s16] =	ssyncset.done $0x0  }
0x100: {  	s28 =	simm.s32 $0x2740;
	[sflag:s16] =	ssyncadd.s32 $0xFFFFE000  }
0x101: {  	[spmem:s4] =	stream.indirect.scatter.add.f32 [tilespmem:s18], [sflag:$0x5], $0x80, s28, s17, $0xb8;
	[tilespmem:$0x1E680] =	vst v63  }
.Ltmp4:
0x102: {  	_ =	swait.ge [sflag:s13], $0x2000;
	(pc) =	sbr.rel .LBB2_6-.Ltmp4, $3  }
0x103: {  	[sflag:s13] =	ssyncset.done $0x0  }
0x104: {  	[sflag:s13] =	ssyncadd.s32 $0xFFFFE000  }
0x105: {  	[bflag:$0x0] =	sbarrier.arrive $0xFFFF;
	_ =	sdelay $0x1  }
.LBB2_5:
.Ltmp5:
0x106: {  	(pc) =	sbr.rel @p0 .LBB2_7-.Ltmp5, $2  }
0x107: {  	_ =	sdelay $0x1  }
0x108: {  	[bflag:$0x0] =	sbarrier.arrive $0xFFFF;
	_ =	sdelay $0x1  }
.LBB2_6:
0x109: {  	s23 =	stileid.u32  }
0x10a: {  	s25 =	sshrl.u32 s7, $0x3;
	s23 =	sshll.u32 s23, $0x6  }
.Ltmp6:
0x10b: {  	s28 =	rddreg [dreg:$0x14];
	s23 =	sor.u32 $0x1C05, s23;
	(pc) =	sbr.rel .LBB2_8-.Ltmp6, $4  }
0x10c: {  	[hbm:s28], [sflag:s23] =	dma.local [spmem:s25], $0x2800  }
0x10d: {  	_ =	swait.ge [sflag:s13], $0x2800  }
0x10e: {  	[sflag:s13] =	ssyncset.done $0x0  }
0x10f: {  	[sflag:s13] =	ssyncadd.s32 $0xFFFFD800  }
.LBB2_9:
0x110: {  	_ =	sfence.sel $0x180000  }
0x111: {  	[bflag:$0x0] =	sbarrier.arrive $0xFFFF  }
0x112: {  	_ =	strace $0x90000047  }
0x113: {  	s0 =	stileid.u32;
	[bflag:$0x2] =	sbarrier.arrive $0xFFFF  }
0x114: {  	p0 =	sne.s32 s0, $0x0;
	s0 =	rddreg [dreg:$0x5]  }
0x115: {  	s0 =	sadd.s32 @!p0 $0x100000, s0  }
0x116: {  	[sflag:s0] =	ssyncadd.tile.s32 @!p0 $0x1;
	_ =	shalt  }
.Lfunc_end2:
_tile_overlayer_lowered:
.L_overlay_start_2:
0x117: {  	(tag) =	ssettag $0x2  }
0x118: {  	s0 =	rddreg [dreg:$0x0];
	s2 =	stileid.u32  }
0x119: {  	s1 =	rddreg [dreg:$0x1];
	p0 =	sne.s32 s2, $0x0  }
0x11a: {  	s3 =	rddreg [dreg:$0x2];
	[bflag:$0x3] =	sbarrier.arrive $0xFFFF;
	s2 =	simm.s32 @!p0 $0x1C05  }
0x11b: {  	[timem:s3], [sflag:s2] =	dma.local @!p0 [hbm:s0], s1  }
0x11c: {  	s0 =	simm.s32 @!p0 $0x5  }
0x11d: {  	_ =	swait.ge @!p0 [sflag:s0], s1  }
0x11e: {  	s1 =	ssub.s32 @!p0 $0x0, s1;
	[sflag:s0] =	ssyncset.done @!p0 $0x0  }
0x11f: {  	[sflag:s0] =	ssyncadd.s32 @!p0 s1  }
0x120: {  	[bflag:$0x3] =	sbarrier.arrive $0xFFFF  }
0x121: {  	_ =	shalt  }

</sc_bundles>
